<compile_context>
chip_gen: v7x
topology: tpu7x:2x2x1
jax: 0.10.2.dev20260603
libtpu: 0.0.44.dev20260713+nightly
codegen_flags: <defaults>
</compile_context>

<pallas_src>
import functools

import jax
import jax.numpy as jnp
from jax import lax
from jax.experimental import pallas as pl
from jax.experimental.pallas import tpu as pltpu
from jax.experimental.pallas import tpu_sc as plsc

_NSUB = 16
_CH = 128


def _sc_segment_sum(feat2, edge_index, zeros_blk, *, n_feat, n_acc, n_chunks):
    zr = n_acc // _NSUB
    cps_lo = n_chunks // _NSUB
    rem = n_chunks % _NSUB
    max_pairs = (cps_lo + 2) // 2
    mesh = plsc.VectorSubcoreMesh(core_axis_name="c", subcore_axis_name="s")

    @functools.partial(
        pl.kernel,
        out_type=jax.ShapeDtypeStruct((2 * n_acc, 128), jnp.float32),
        mesh=mesh,
        scratch_types=[
            pltpu.VMEM((2, 2, _CH), jnp.int32),
            pltpu.VMEM((2, _CH, 128), jnp.float32),
            pltpu.VMEM_SHARED((n_acc, 128), jnp.float32),
            pltpu.SemaphoreType.DMA,
            pltpu.SemaphoreType.DMA,
            pltpu.SemaphoreType.DMA,
            pltpu.SemaphoreType.DMA,
        ],
    )
    def body(feat_hbm, e_hbm, zero_hbm, out_hbm, idx, rows, acc,
             gsem0, gsem1, isem0, isem1):
        c = lax.axis_index("c")
        s = lax.axis_index("s")
        gsems = (gsem0, gsem1)
        isems = (isem0, isem1)
        row0 = s * zr
        cnt = cps_lo + jnp.where(s < rem, 1, 0)
        base = s * cps_lo + jnp.minimum(s, rem)

        def iload(b, ck):
            pltpu.async_copy(e_hbm.at[:, pl.ds((base + ck) * _CH, _CH)],
                             idx.at[b], isems[b])

        def iwait(b, ck):
            pltpu.make_async_copy(e_hbm.at[:, pl.ds((base + ck) * _CH, _CH)],
                                  idx.at[b], isems[b]).wait()

        def fixup(b):
            srow = idx.at[b].at[0]
            for i in range(_CH // 16):
                sl = pl.ds(i * 16, 16)
                srow[sl] = srow[sl] * 2 + c

        def gstart(b, ck):
            pltpu.async_copy(feat_hbm.at[idx.at[b].at[0]], rows.at[b],
                             gsems[b])

        def gwait(b):
            pltpu.make_async_copy(feat_hbm.at[idx.at[b].at[0]], rows.at[b],
                                  gsems[b]).wait()

        iload(0, 0)
        iload(1, 1)
        pltpu.sync_copy(zero_hbm, acc.at[pl.ds(row0, zr)])
        iwait(0, 0)
        fixup(0)
        gstart(0, 0)
        plsc.subcore_barrier()

        @pl.loop(0, max_pairs)
        def _(j):
            k = 2 * j
            for b in range(2):
                ck = k + b
                b2 = 1 - b

                @pl.when(ck < cnt)
                def _():
                    gwait(b)

                    @pl.when(ck + 1 < cnt)
                    def _():
                        iwait(b2, ck + 1)
                        fixup(b2)
                        gstart(b2, ck + 1)

                    pltpu.sync_copy(rows.at[b], acc.at[idx.at[b].at[1]],
                                    add=True)

                    @pl.when(ck + 2 < cnt)
                    def _():
                        iload(b, ck + 2)

        plsc.subcore_barrier()
        pltpu.sync_copy(acc.at[pl.ds(row0, zr)],
                        out_hbm.at[pl.ds(c * n_acc + row0, zr)])

    return body(feat2, edge_index, zeros_blk)


def _tc_mlp(feat, neigh3, W1b, b1, W2b, b2, eps, *, bm):
    n, d = feat.shape
    h = W1b.shape[1]
    nb = n // bm

    def body(eps_sm, feat_r, n3_r, w1_r, b1_r, w2_r, b2_r, out_r):
        scale = 1.0 + eps_sm[0]
        neigh = jnp.concatenate([n3_r[0], n3_r[1]], axis=1)
        rst = scale * feat_r[...].astype(jnp.float32) + neigh
        acts = jnp.maximum(
            jnp.dot(rst.astype(jnp.bfloat16), w1_r[...],
                    preferred_element_type=jnp.float32) + b1_r[...], 0.0)
        out_r[...] = (jnp.dot(acts.astype(jnp.bfloat16), w2_r[...],
                              preferred_element_type=jnp.float32) + b2_r[...])

    return pl.pallas_call(
        body,
        grid=(nb,),
        in_specs=[
            pl.BlockSpec(memory_space=pltpu.SMEM),
            pl.BlockSpec((bm, d), lambda i: (i, 0)),
            pl.BlockSpec((2, bm, 128), lambda i: (0, i, 0)),
            pl.BlockSpec((d, h), lambda i: (0, 0)),
            pl.BlockSpec((1, h), lambda i: (0, 0)),
            pl.BlockSpec((h, d), lambda i: (0, 0)),
            pl.BlockSpec((1, d), lambda i: (0, 0)),
        ],
        out_specs=pl.BlockSpec((bm, d), lambda i: (i, 0)),
        out_shape=jax.ShapeDtypeStruct((n, d), jnp.float32),
        compiler_params=pltpu.CompilerParams(
            dimension_semantics=("arbitrary",)),
    )(eps, feat, neigh3, W1b,
      b1.reshape(1, h), W2b, b2.reshape(1, d))


def kernel(feat, edge_index, W1, b1, W2, b2, eps):
    n, d = feat.shape
    e = edge_index.shape[1]
    bm = 2000
    n_acc = 10240
    n_chunks = e // _CH

    feat2 = feat.reshape(2 * n, 128)
    zeros_blk = jnp.zeros((n_acc // _NSUB, 128), jnp.float32)

    neigh_flat = _sc_segment_sum(feat2, edge_index, zeros_blk,
                                 n_feat=n, n_acc=n_acc, n_chunks=n_chunks)
    return _tc_mlp(feat.astype(jnp.bfloat16), neigh_flat.reshape(2, n_acc, 128),
                   W1.astype(jnp.bfloat16), b1,
                   W2.astype(jnp.bfloat16), b2, eps, bm=bm)

# --- scband reference (transcript-rebuilt; emitter-appended) ---
"""Pipeline reference for scband-ginconv-51393578664473 (READ-ONLY COPY).

The authoritative reference and input builder live on the scoring server;
editing this copy changes nothing except your own understanding.
"""

import jax, jax.numpy as jnp
import numpy as np

N = 10000
E = 160000
D = 256
H = 1024


def setup_inputs(seed: int = 0) -> dict:
    key = jax.random.key(seed)
    k1, k2, k3, k4 = jax.random.split(key, 4)
    feat = jax.random.normal(k1, (N, D), dtype=jnp.float32)
    edge_index = jax.random.randint(k2, (2, E), 0, N, dtype=jnp.int32)
    # GIN apply_func: 2-layer MLP (Linear -> ReLU -> Linear)
    W1 = jax.random.normal(k3, (D, H), dtype=jnp.float32) * 0.05
    b1 = jnp.zeros((H,), dtype=jnp.float32)
    W2 = jax.random.normal(k4, (H, D), dtype=jnp.float32) * 0.05
    b2 = jnp.zeros((D,), dtype=jnp.float32)
    # learnable eps (init_eps = 0.0)
    eps = jnp.zeros((1,), dtype=jnp.float32)
    return {"feat": feat, "edge_index": edge_index, "W1": W1, "b1": b1, "W2": W2, "b2": b2, "eps": eps}


def reference(feat, edge_index, W1, b1, W2, b2, eps):
    # GINConv forward (sum aggregator):
    #   neigh[v] = sum_{(u->v) in E} feat[u]   (the SpMM / copy_u + sum reduce)
    #   rst = (1 + eps) * feat + neigh
    #   rst = apply_func(rst)  # MLP: Linear->ReLU->Linear
    src = edge_index[0]
    dst = edge_index[1]
    messages = jnp.take(feat, src, axis=0)            # gather over src nodes
    neigh = jax.ops.segment_sum(messages, dst, num_segments=feat.shape[0])  # scatter-add by dst
    rst = (1.0 + eps[0]) * feat + neigh
    h = jnp.maximum(jnp.dot(rst, W1) + b1, 0.0)
    out = jnp.dot(h, W2) + b2
    return out

if __name__ == "__main__":
    import jax
    _d = setup_inputs()
    print(jax.jit(kernel)(*tuple(_d.values())))

</pallas_src>

<mosaic_0001>
#map = affine_map<(d0, d1) -> (0, 0)>
module attributes {stable_mosaic.version = 14 : i64} {
  func.func @body(%arg0: i32, %arg1: i32, %arg2: memref<20000x128xf32, #tpu.memory_space<hbm>>, %arg3: memref<2x160000xi32, #tpu.memory_space<hbm>>, %arg4: memref<640x128xf32, #tpu.memory_space<hbm>>, %arg5: memref<20480x128xf32, #tpu.memory_space<hbm>>, %arg6: memref<2x2x128xi32, #tpu.memory_space<vmem>>, %arg7: memref<2x128x128xf32, #tpu.memory_space<vmem>>, %arg8: memref<10240x128xf32, #tpu.memory_space<vmem_shared>>, %arg9: memref<!tpu.dma_semaphore, #tpu.memory_space<semaphore_mem>>, %arg10: memref<!tpu.dma_semaphore, #tpu.memory_space<semaphore_mem>>, %arg11: memref<!tpu.dma_semaphore, #tpu.memory_space<semaphore_mem>>, %arg12: memref<!tpu.dma_semaphore, #tpu.memory_space<semaphore_mem>>) attributes {dimension_semantics = [#tpu.dimension_semantics<core_parallel>, #tpu.dimension_semantics<subcore_parallel>], iteration_bounds = array<i64: 2, 16>, scalar_prefetch = 0 : i64, scratch_operands = 7 : i64, tpu.core_type = #tpu.core_type<sc_vector_subcore>, window_params = [{transform_indices = #map}, {transform_indices = #map}, {transform_indices = #map}, {transform_indices = #map}]} {
    %mul3A = arith.constant 640 : i32
    %mul3A_0 = arith.muli %arg1, %mul3A : i32
    %lt3A = arith.constant 2 : i32
    %lt3A_1 = arith.cmpi slt, %arg1, %lt3A : i32
    %jit3A = arith.constant 1 : i32
    %jit3A_2 = arith.constant 0 : i32
    %select_n3A = arith.select %lt3A_1, %jit3A, %jit3A_2 : i32
    %add3A = arith.constant 78 : i32
    %add3A_3 = arith.addi %add3A, %select_n3A : i32
    %mul3A_4 = arith.constant 78 : i32
    %mul3A_5 = arith.muli %arg1, %mul3A_4 : i32
    %min3A = arith.constant 2 : i32
    %min3A_6 = arith.minsi %arg1, %min3A : i32
    %add3A_7 = arith.addi %mul3A_5, %min3A_6 : i32
    %add3A_8 = arith.constant 0 : i32
    %add3A_9 = arith.addi %add3A_7, %add3A_8 : i32
    %mul3A_10 = arith.constant 128 : i32
    %mul3A_11 = arith.muli %add3A_9, %mul3A_10 : i32
    %dma_start3A = arith.constant 0 : i32
    %dma_start3A_12 = arith.constant 0 : i32
    %dma_start3A_13 = arith.constant 0 : i32
    %dma_start3A_14 = tpu.memref_slice %arg6[%dma_start3A, %dma_start3A_12, %dma_start3A_13] : memref<2x2x128xi32, #tpu.memory_space<vmem>> -> memref<1x2x128xi32, #tpu.memory_space<vmem>>
    %dma_start3A_15 = tpu.memref_squeeze %dma_start3A_14 : memref<1x2x128xi32, #tpu.memory_space<vmem>> -> memref<2x128xi32, #tpu.memory_space<vmem>>
    %dma_start3A_16 = arith.constant 0 : i32
    %dma_start3A_17 = tpu.memref_slice %arg3[%dma_start3A_16, %mul3A_11] : memref<2x160000xi32, #tpu.memory_space<hbm>> -> memref<2x128xi32, #tpu.memory_space<hbm>>
    %dma_start3A_18 = arith.constant 0 : i32
    %dma_start3A_19 = arith.constant 0 : i32
    %dma_start3A_20 = tpu.memref_slice %arg6[%dma_start3A, %dma_start3A_18, %dma_start3A_19] : memref<2x2x128xi32, #tpu.memory_space<vmem>> -> memref<1x2x128xi32, #tpu.memory_space<vmem>>
    %dma_start3A_21 = tpu.memref_squeeze %dma_start3A_20 : memref<1x2x128xi32, #tpu.memory_space<vmem>> -> memref<2x128xi32, #tpu.memory_space<vmem>>
    %dma_start3A_22 = arith.constant 0 : i32
    %dma_start3A_23 = tpu.memref_slice %arg3[%dma_start3A_22, %mul3A_11] : memref<2x160000xi32, #tpu.memory_space<hbm>> -> memref<2x128xi32, #tpu.memory_space<hbm>>
    tpu.enqueue_dma source(%dma_start3A_23 : memref<2x128xi32, #tpu.memory_space<hbm>>) target(%dma_start3A_21 : memref<2x128xi32, #tpu.memory_space<vmem>>) target_semaphore(%arg11 : memref<!tpu.dma_semaphore, #tpu.memory_space<semaphore_mem>>)
    %add3A_24 = arith.constant 1 : i32
    %add3A_25 = arith.addi %add3A_7, %add3A_24 : i32
    %mul3A_26 = arith.constant 128 : i32
    %mul3A_27 = arith.muli %add3A_25, %mul3A_26 : i32
    %dma_start3A_28 = arith.constant 1 : i32
    %dma_start3A_29 = arith.constant 0 : i32
    %dma_start3A_30 = arith.constant 0 : i32
    %dma_start3A_31 = tpu.memref_slice %arg6[%dma_start3A_28, %dma_start3A_29, %dma_start3A_30] : memref<2x2x128xi32, #tpu.memory_space<vmem>> -> memref<1x2x128xi32, #tpu.memory_space<vmem>>
    %dma_start3A_32 = tpu.memref_squeeze %dma_start3A_31 : memref<1x2x128xi32, #tpu.memory_space<vmem>> -> memref<2x128xi32, #tpu.memory_space<vmem>>
    %dma_start3A_33 = arith.constant 0 : i32
    %dma_start3A_34 = tpu.memref_slice %arg3[%dma_start3A_33, %mul3A_27] : memref<2x160000xi32, #tpu.memory_space<hbm>> -> memref<2x128xi32, #tpu.memory_space<hbm>>
    %dma_start3A_35 = arith.constant 0 : i32
    %dma_start3A_36 = arith.constant 0 : i32
    %dma_start3A_37 = tpu.memref_slice %arg6[%dma_start3A_28, %dma_start3A_35, %dma_start3A_36] : memref<2x2x128xi32, #tpu.memory_space<vmem>> -> memref<1x2x128xi32, #tpu.memory_space<vmem>>
    %dma_start3A_38 = tpu.memref_squeeze %dma_start3A_37 : memref<1x2x128xi32, #tpu.memory_space<vmem>> -> memref<2x128xi32, #tpu.memory_space<vmem>>
    %dma_start3A_39 = arith.constant 0 : i32
    %dma_start3A_40 = tpu.memref_slice %arg3[%dma_start3A_39, %mul3A_27] : memref<2x160000xi32, #tpu.memory_space<hbm>> -> memref<2x128xi32, #tpu.memory_space<hbm>>
    tpu.enqueue_dma source(%dma_start3A_40 : memref<2x128xi32, #tpu.memory_space<hbm>>) target(%dma_start3A_38 : memref<2x128xi32, #tpu.memory_space<vmem>>) target_semaphore(%arg12 : memref<!tpu.dma_semaphore, #tpu.memory_space<semaphore_mem>>)
    "tpu.region"() ({
      %run_scoped3A = tpu.sem_alloc : memref<!tpu.dma_semaphore, #tpu.memory_space<semaphore_mem>>
      %dma_start3A_320 = arith.constant 0 : i32
      %dma_start3A_321 = tpu.memref_slice %arg8[%mul3A_0, %dma_start3A_320] : memref<10240x128xf32, #tpu.memory_space<vmem_shared>> -> memref<640x128xf32, #tpu.memory_space<vmem_shared>>
      tpu.enqueue_dma source(%arg4 : memref<640x128xf32, #tpu.memory_space<hbm>>) target(%dma_start3A_321 : memref<640x128xf32, #tpu.memory_space<vmem_shared>>) target_semaphore(%run_scoped3A : memref<!tpu.dma_semaphore, #tpu.memory_space<semaphore_mem>>)
      %dma_wait3A_322 = arith.constant 0 : i32
      %dma_wait3A_323 = tpu.memref_slice %arg8[%mul3A_0, %dma_wait3A_322] : memref<10240x128xf32, #tpu.memory_space<vmem_shared>> -> memref<640x128xf32, #tpu.memory_space<vmem_shared>>
      tpu.wait_dma2 semaphore(%run_scoped3A : memref<!tpu.dma_semaphore, #tpu.memory_space<semaphore_mem>>) src(%arg4 : memref<640x128xf32, #tpu.memory_space<hbm>>) dst(%dma_wait3A_323 : memref<640x128xf32, #tpu.memory_space<vmem_shared>>)
      tpu.yield
    }) : () -> ()
    %add3A_41 = arith.constant 0 : i32
    %add3A_42 = arith.addi %add3A_7, %add3A_41 : i32
    %mul3A_43 = arith.constant 128 : i32
    %mul3A_44 = arith.muli %add3A_42, %mul3A_43 : i32
    %dma_wait3A = arith.constant 0 : i32
    %dma_wait3A_45 = arith.constant 0 : i32
    %dma_wait3A_46 = arith.constant 0 : i32
    %dma_wait3A_47 = tpu.memref_slice %arg6[%dma_wait3A, %dma_wait3A_45, %dma_wait3A_46] : memref<2x2x128xi32, #tpu.memory_space<vmem>> -> memref<1x2x128xi32, #tpu.memory_space<vmem>>
    %dma_wait3A_48 = tpu.memref_squeeze %dma_wait3A_47 : memref<1x2x128xi32, #tpu.memory_space<vmem>> -> memref<2x128xi32, #tpu.memory_space<vmem>>
    %dma_wait3A_49 = arith.constant 0 : i32
    %dma_wait3A_50 = tpu.memref_slice %arg3[%dma_wait3A_49, %mul3A_44] : memref<2x160000xi32, #tpu.memory_space<hbm>> -> memref<2x128xi32, #tpu.memory_space<hbm>>
    %dma_wait3A_51 = arith.constant 0 : i32
    %dma_wait3A_52 = arith.constant 0 : i32
    %dma_wait3A_53 = tpu.memref_slice %arg6[%dma_wait3A, %dma_wait3A_51, %dma_wait3A_52] : memref<2x2x128xi32, #tpu.memory_space<vmem>> -> memref<1x2x128xi32, #tpu.memory_space<vmem>>
    %dma_wait3A_54 = tpu.memref_squeeze %dma_wait3A_53 : memref<1x2x128xi32, #tpu.memory_space<vmem>> -> memref<2x128xi32, #tpu.memory_space<vmem>>
    %dma_wait3A_55 = arith.constant 0 : i32
    %dma_wait3A_56 = tpu.memref_slice %arg3[%dma_wait3A_55, %mul3A_44] : memref<2x160000xi32, #tpu.memory_space<hbm>> -> memref<2x128xi32, #tpu.memory_space<hbm>>
    tpu.wait_dma2 semaphore(%arg11 : memref<!tpu.dma_semaphore, #tpu.memory_space<semaphore_mem>>) src(%dma_wait3A_56 : memref<2x128xi32, #tpu.memory_space<hbm>>) dst(%dma_wait3A_54 : memref<2x128xi32, #tpu.memory_space<vmem>>)
    %get3A = arith.constant 0 : i32
    %get3A_57 = arith.constant 0 : i32
    %get3A_58 = arith.constant 0 : i32
    %get3A_59 = arith.constant 0 : i32
    %get3A_60 = tpu.memref_slice %arg6[%get3A, %get3A_58, %get3A_59] : memref<2x2x128xi32, #tpu.memory_space<vmem>> -> memref<1x2x128xi32, #tpu.memory_space<vmem>>
    %get3A_61 = tpu.memref_squeeze %get3A_60 : memref<1x2x128xi32, #tpu.memory_space<vmem>> -> memref<2x128xi32, #tpu.memory_space<vmem>>
    %get3A_62 = arith.constant 0 : i32
    %get3A_63 = tpu.memref_slice %get3A_61[%get3A_57, %get3A_62] : memref<2x128xi32, #tpu.memory_space<vmem>> -> memref<1x128xi32, #tpu.memory_space<vmem>>
    %get3A_64 = tpu.memref_squeeze %get3A_63 : memref<1x128xi32, #tpu.memory_space<vmem>> -> memref<128xi32, #tpu.memory_space<vmem>>
    %get3A_65 = arith.constant 0 : index
    %get3A_66 = tpu.vector_load %get3A_64[%get3A_65] {strides = array<i32>} : memref<128xi32, #tpu.memory_space<vmem>>, vector<16xi32>,
    %get3A_67 = vector.shape_cast %get3A_66 : vector<16xi32> to vector<16xi32>
    %mul3A_68 = arith.constant 2 : i32
    %mul3A_69 = vector.broadcast %mul3A_68 : i32 to vector<16xi32>
    %mul3A_70 = arith.muli %get3A_67, %mul3A_69 : vector<16xi32>
    %add3A_71 = vector.broadcast %arg0 : i32 to vector<16xi32>
    %add3A_72 = arith.addi %mul3A_70, %add3A_71 : vector<16xi32>
    %swap3A = arith.constant 0 : i32
    %swap3A_73 = arith.constant 0 : i32
    %swap3A_74 = arith.constant 0 : i32
    %swap3A_75 = arith.constant 0 : i32
    %swap3A_76 = tpu.memref_slice %arg6[%swap3A, %swap3A_74, %swap3A_75] : memref<2x2x128xi32, #tpu.memory_space<vmem>> -> memref<1x2x128xi32, #tpu.memory_space<vmem>>
    %swap3A_77 = tpu.memref_squeeze %swap3A_76 : memref<1x2x128xi32, #tpu.memory_space<vmem>> -> memref<2x128xi32, #tpu.memory_space<vmem>>
    %swap3A_78 = arith.constant 0 : i32
    %swap3A_79 = tpu.memref_slice %swap3A_77[%swap3A_73, %swap3A_78] : memref<2x128xi32, #tpu.memory_space<vmem>> -> memref<1x128xi32, #tpu.memory_space<vmem>>
    %swap3A_80 = tpu.memref_squeeze %swap3A_79 : memref<1x128xi32, #tpu.memory_space<vmem>> -> memref<128xi32, #tpu.memory_space<vmem>>
    %swap3A_81 = arith.constant 0 : index
    %swap3A_82 = tpu.vector_load %swap3A_80[%swap3A_81] {strides = array<i32>} : memref<128xi32, #tpu.memory_space<vmem>>, vector<16xi32>,
    %swap3A_83 = vector.shape_cast %swap3A_82 : vector<16xi32> to vector<16xi32>
    %swap3A_84 = vector.shape_cast %add3A_72 : vector<16xi32> to vector<16xi32>
    tpu.vector_store %swap3A_80[%swap3A_81], %swap3A_84 {strides = array<i32>} : memref<128xi32, #tpu.memory_space<vmem>>, vector<16xi32>,
    %get3A_85 = arith.constant 0 : i32
    %get3A_86 = arith.constant 0 : i32
    %get3A_87 = arith.constant 0 : i32
    %get3A_88 = arith.constant 0 : i32
    %get3A_89 = tpu.memref_slice %arg6[%get3A_85, %get3A_87, %get3A_88] : memref<2x2x128xi32, #tpu.memory_space<vmem>> -> memref<1x2x128xi32, #tpu.memory_space<vmem>>
    %get3A_90 = tpu.memref_squeeze %get3A_89 : memref<1x2x128xi32, #tpu.memory_space<vmem>> -> memref<2x128xi32, #tpu.memory_space<vmem>>
    %get3A_91 = arith.constant 0 : i32
    %get3A_92 = tpu.memref_slice %get3A_90[%get3A_86, %get3A_91] : memref<2x128xi32, #tpu.memory_space<vmem>> -> memref<1x128xi32, #tpu.memory_space<vmem>>
    %get3A_93 = tpu.memref_squeeze %get3A_92 : memref<1x128xi32, #tpu.memory_space<vmem>> -> memref<128xi32, #tpu.memory_space<vmem>>
    %get3A_94 = arith.constant 16 : index
    %get3A_95 = tpu.vector_load %get3A_93[%get3A_94] {strides = array<i32>} : memref<128xi32, #tpu.memory_space<vmem>>, vector<16xi32>,
    %get3A_96 = vector.shape_cast %get3A_95 : vector<16xi32> to vector<16xi32>
    %mul3A_97 = arith.constant 2 : i32
    %mul3A_98 = vector.broadcast %mul3A_97 : i32 to vector<16xi32>
    %mul3A_99 = arith.muli %get3A_96, %mul3A_98 : vector<16xi32>
    %add3A_100 = vector.broadcast %arg0 : i32 to vector<16xi32>
    %add3A_101 = arith.addi %mul3A_99, %add3A_100 : vector<16xi32>
    %swap3A_102 = arith.constant 0 : i32
    %swap3A_103 = arith.constant 0 : i32
    %swap3A_104 = arith.constant 0 : i32
    %swap3A_105 = arith.constant 0 : i32
    %swap3A_106 = tpu.memref_slice %arg6[%swap3A_102, %swap3A_104, %swap3A_105] : memref<2x2x128xi32, #tpu.memory_space<vmem>> -> memref<1x2x128xi32, #tpu.memory_space<vmem>>
    %swap3A_107 = tpu.memref_squeeze %swap3A_106 : memref<1x2x128xi32, #tpu.memory_space<vmem>> -> memref<2x128xi32, #tpu.memory_space<vmem>>
    %swap3A_108 = arith.constant 0 : i32
    %swap3A_109 = tpu.memref_slice %swap3A_107[%swap3A_103, %swap3A_108] : memref<2x128xi32, #tpu.memory_space<vmem>> -> memref<1x128xi32, #tpu.memory_space<vmem>>
    %swap3A_110 = tpu.memref_squeeze %swap3A_109 : memref<1x128xi32, #tpu.memory_space<vmem>> -> memref<128xi32, #tpu.memory_space<vmem>>
    %swap3A_111 = arith.constant 16 : index
    %swap3A_112 = tpu.vector_load %swap3A_110[%swap3A_111] {strides = array<i32>} : memref<128xi32, #tpu.memory_space<vmem>>, vector<16xi32>,
    %swap3A_113 = vector.shape_cast %swap3A_112 : vector<16xi32> to vector<16xi32>
    %swap3A_114 = vector.shape_cast %add3A_101 : vector<16xi32> to vector<16xi32>
    tpu.vector_store %swap3A_110[%swap3A_111], %swap3A_114 {strides = array<i32>} : memref<128xi32, #tpu.memory_space<vmem>>, vector<16xi32>,
    %get3A_115 = arith.constant 0 : i32
    %get3A_116 = arith.constant 0 : i32
    %get3A_117 = arith.constant 0 : i32
    %get3A_118 = arith.constant 0 : i32
    %get3A_119 = tpu.memref_slice %arg6[%get3A_115, %get3A_117, %get3A_118] : memref<2x2x128xi32, #tpu.memory_space<vmem>> -> memref<1x2x128xi32, #tpu.memory_space<vmem>>
    %get3A_120 = tpu.memref_squeeze %get3A_119 : memref<1x2x128xi32, #tpu.memory_space<vmem>> -> memref<2x128xi32, #tpu.memory_space<vmem>>
    %get3A_121 = arith.constant 0 : i32
    %get3A_122 = tpu.memref_slice %get3A_120[%get3A_116, %get3A_121] : memref<2x128xi32, #tpu.memory_space<vmem>> -> memref<1x128xi32, #tpu.memory_space<vmem>>
    %get3A_123 = tpu.memref_squeeze %get3A_122 : memref<1x128xi32, #tpu.memory_space<vmem>> -> memref<128xi32, #tpu.memory_space<vmem>>
    %get3A_124 = arith.constant 32 : index
    %get3A_125 = tpu.vector_load %get3A_123[%get3A_124] {strides = array<i32>} : memref<128xi32, #tpu.memory_space<vmem>>, vector<16xi32>,
    %get3A_126 = vector.shape_cast %get3A_125 : vector<16xi32> to vector<16xi32>
    %mul3A_127 = arith.constant 2 : i32
    %mul3A_128 = vector.broadcast %mul3A_127 : i32 to vector<16xi32>
    %mul3A_129 = arith.muli %get3A_126, %mul3A_128 : vector<16xi32>
    %add3A_130 = vector.broadcast %arg0 : i32 to vector<16xi32>
    %add3A_131 = arith.addi %mul3A_129, %add3A_130 : vector<16xi32>
    %swap3A_132 = arith.constant 0 : i32
    %swap3A_133 = arith.constant 0 : i32
    %swap3A_134 = arith.constant 0 : i32
    %swap3A_135 = arith.constant 0 : i32
    %swap3A_136 = tpu.memref_slice %arg6[%swap3A_132, %swap3A_134, %swap3A_135] : memref<2x2x128xi32, #tpu.memory_space<vmem>> -> memref<1x2x128xi32, #tpu.memory_space<vmem>>
    %swap3A_137 = tpu.memref_squeeze %swap3A_136 : memref<1x2x128xi32, #tpu.memory_space<vmem>> -> memref<2x128xi32, #tpu.memory_space<vmem>>
    %swap3A_138 = arith.constant 0 : i32
    %swap3A_139 = tpu.memref_slice %swap3A_137[%swap3A_133, %swap3A_138] : memref<2x128xi32, #tpu.memory_space<vmem>> -> memref<1x128xi32, #tpu.memory_space<vmem>>
    %swap3A_140 = tpu.memref_squeeze %swap3A_139 : memref<1x128xi32, #tpu.memory_space<vmem>> -> memref<128xi32, #tpu.memory_space<vmem>>
    %swap3A_141 = arith.constant 32 : index
    %swap3A_142 = tpu.vector_load %swap3A_140[%swap3A_141] {strides = array<i32>} : memref<128xi32, #tpu.memory_space<vmem>>, vector<16xi32>,
    %swap3A_143 = vector.shape_cast %swap3A_142 : vector<16xi32> to vector<16xi32>
    %swap3A_144 = vector.shape_cast %add3A_131 : vector<16xi32> to vector<16xi32>
    tpu.vector_store %swap3A_140[%swap3A_141], %swap3A_144 {strides = array<i32>} : memref<128xi32, #tpu.memory_space<vmem>>, vector<16xi32>,
    %get3A_145 = arith.constant 0 : i32
    %get3A_146 = arith.constant 0 : i32
    %get3A_147 = arith.constant 0 : i32
    %get3A_148 = arith.constant 0 : i32
    %get3A_149 = tpu.memref_slice %arg6[%get3A_145, %get3A_147, %get3A_148] : memref<2x2x128xi32, #tpu.memory_space<vmem>> -> memref<1x2x128xi32, #tpu.memory_space<vmem>>
    %get3A_150 = tpu.memref_squeeze %get3A_149 : memref<1x2x128xi32, #tpu.memory_space<vmem>> -> memref<2x128xi32, #tpu.memory_space<vmem>>
    %get3A_151 = arith.constant 0 : i32
    %get3A_152 = tpu.memref_slice %get3A_150[%get3A_146, %get3A_151] : memref<2x128xi32, #tpu.memory_space<vmem>> -> memref<1x128xi32, #tpu.memory_space<vmem>>
    %get3A_153 = tpu.memref_squeeze %get3A_152 : memref<1x128xi32, #tpu.memory_space<vmem>> -> memref<128xi32, #tpu.memory_space<vmem>>
    %get3A_154 = arith.constant 48 : index
    %get3A_155 = tpu.vector_load %get3A_153[%get3A_154] {strides = array<i32>} : memref<128xi32, #tpu.memory_space<vmem>>, vector<16xi32>,
    %get3A_156 = vector.shape_cast %get3A_155 : vector<16xi32> to vector<16xi32>
    %mul3A_157 = arith.constant 2 : i32
    %mul3A_158 = vector.broadcast %mul3A_157 : i32 to vector<16xi32>
    %mul3A_159 = arith.muli %get3A_156, %mul3A_158 : vector<16xi32>
    %add3A_160 = vector.broadcast %arg0 : i32 to vector<16xi32>
    %add3A_161 = arith.addi %mul3A_159, %add3A_160 : vector<16xi32>
    %swap3A_162 = arith.constant 0 : i32
    %swap3A_163 = arith.constant 0 : i32
    %swap3A_164 = arith.constant 0 : i32
    %swap3A_165 = arith.constant 0 : i32
    %swap3A_166 = tpu.memref_slice %arg6[%swap3A_162, %swap3A_164, %swap3A_165] : memref<2x2x128xi32, #tpu.memory_space<vmem>> -> memref<1x2x128xi32, #tpu.memory_space<vmem>>
    %swap3A_167 = tpu.memref_squeeze %swap3A_166 : memref<1x2x128xi32, #tpu.memory_space<vmem>> -> memref<2x128xi32, #tpu.memory_space<vmem>>
    %swap3A_168 = arith.constant 0 : i32
    %swap3A_169 = tpu.memref_slice %swap3A_167[%swap3A_163, %swap3A_168] : memref<2x128xi32, #tpu.memory_space<vmem>> -> memref<1x128xi32, #tpu.memory_space<vmem>>
    %swap3A_170 = tpu.memref_squeeze %swap3A_169 : memref<1x128xi32, #tpu.memory_space<vmem>> -> memref<128xi32, #tpu.memory_space<vmem>>
    %swap3A_171 = arith.constant 48 : index
    %swap3A_172 = tpu.vector_load %swap3A_170[%swap3A_171] {strides = array<i32>} : memref<128xi32, #tpu.memory_space<vmem>>, vector<16xi32>,
    %swap3A_173 = vector.shape_cast %swap3A_172 : vector<16xi32> to vector<16xi32>
    %swap3A_174 = vector.shape_cast %add3A_161 : vector<16xi32> to vector<16xi32>
    tpu.vector_store %swap3A_170[%swap3A_171], %swap3A_174 {strides = array<i32>} : memref<128xi32, #tpu.memory_space<vmem>>, vector<16xi32>,
    %get3A_175 = arith.constant 0 : i32
    %get3A_176 = arith.constant 0 : i32
    %get3A_177 = arith.constant 0 : i32
    %get3A_178 = arith.constant 0 : i32
    %get3A_179 = tpu.memref_slice %arg6[%get3A_175, %get3A_177, %get3A_178] : memref<2x2x128xi32, #tpu.memory_space<vmem>> -> memref<1x2x128xi32, #tpu.memory_space<vmem>>
    %get3A_180 = tpu.memref_squeeze %get3A_179 : memref<1x2x128xi32, #tpu.memory_space<vmem>> -> memref<2x128xi32, #tpu.memory_space<vmem>>
    %get3A_181 = arith.constant 0 : i32
    %get3A_182 = tpu.memref_slice %get3A_180[%get3A_176, %get3A_181] : memref<2x128xi32, #tpu.memory_space<vmem>> -> memref<1x128xi32, #tpu.memory_space<vmem>>
    %get3A_183 = tpu.memref_squeeze %get3A_182 : memref<1x128xi32, #tpu.memory_space<vmem>> -> memref<128xi32, #tpu.memory_space<vmem>>
    %get3A_184 = arith.constant 64 : index
    %get3A_185 = tpu.vector_load %get3A_183[%get3A_184] {strides = array<i32>} : memref<128xi32, #tpu.memory_space<vmem>>, vector<16xi32>,
    %get3A_186 = vector.shape_cast %get3A_185 : vector<16xi32> to vector<16xi32>
    %mul3A_187 = arith.constant 2 : i32
    %mul3A_188 = vector.broadcast %mul3A_187 : i32 to vector<16xi32>
    %mul3A_189 = arith.muli %get3A_186, %mul3A_188 : vector<16xi32>
    %add3A_190 = vector.broadcast %arg0 : i32 to vector<16xi32>
    %add3A_191 = arith.addi %mul3A_189, %add3A_190 : vector<16xi32>
    %swap3A_192 = arith.constant 0 : i32
    %swap3A_193 = arith.constant 0 : i32
    %swap3A_194 = arith.constant 0 : i32
    %swap3A_195 = arith.constant 0 : i32
    %swap3A_196 = tpu.memref_slice %arg6[%swap3A_192, %swap3A_194, %swap3A_195] : memref<2x2x128xi32, #tpu.memory_space<vmem>> -> memref<1x2x128xi32, #tpu.memory_space<vmem>>
    %swap3A_197 = tpu.memref_squeeze %swap3A_196 : memref<1x2x128xi32, #tpu.memory_space<vmem>> -> memref<2x128xi32, #tpu.memory_space<vmem>>
    %swap3A_198 = arith.constant 0 : i32
    %swap3A_199 = tpu.memref_slice %swap3A_197[%swap3A_193, %swap3A_198] : memref<2x128xi32, #tpu.memory_space<vmem>> -> memref<1x128xi32, #tpu.memory_space<vmem>>
    %swap3A_200 = tpu.memref_squeeze %swap3A_199 : memref<1x128xi32, #tpu.memory_space<vmem>> -> memref<128xi32, #tpu.memory_space<vmem>>
    %swap3A_201 = arith.constant 64 : index
    %swap3A_202 = tpu.vector_load %swap3A_200[%swap3A_201] {strides = array<i32>} : memref<128xi32, #tpu.memory_space<vmem>>, vector<16xi32>,
    %swap3A_203 = vector.shape_cast %swap3A_202 : vector<16xi32> to vector<16xi32>
    %swap3A_204 = vector.shape_cast %add3A_191 : vector<16xi32> to vector<16xi32>
    tpu.vector_store %swap3A_200[%swap3A_201], %swap3A_204 {strides = array<i32>} : memref<128xi32, #tpu.memory_space<vmem>>, vector<16xi32>,
    %get3A_205 = arith.constant 0 : i32
    %get3A_206 = arith.constant 0 : i32
    %get3A_207 = arith.constant 0 : i32
    %get3A_208 = arith.constant 0 : i32
    %get3A_209 = tpu.memref_slice %arg6[%get3A_205, %get3A_207, %get3A_208] : memref<2x2x128xi32, #tpu.memory_space<vmem>> -> memref<1x2x128xi32, #tpu.memory_space<vmem>>
    %get3A_210 = tpu.memref_squeeze %get3A_209 : memref<1x2x128xi32, #tpu.memory_space<vmem>> -> memref<2x128xi32, #tpu.memory_space<vmem>>
    %get3A_211 = arith.constant 0 : i32
    %get3A_212 = tpu.memref_slice %get3A_210[%get3A_206, %get3A_211] : memref<2x128xi32, #tpu.memory_space<vmem>> -> memref<1x128xi32, #tpu.memory_space<vmem>>
    %get3A_213 = tpu.memref_squeeze %get3A_212 : memref<1x128xi32, #tpu.memory_space<vmem>> -> memref<128xi32, #tpu.memory_space<vmem>>
    %get3A_214 = arith.constant 80 : index
    %get3A_215 = tpu.vector_load %get3A_213[%get3A_214] {strides = array<i32>} : memref<128xi32, #tpu.memory_space<vmem>>, vector<16xi32>,
    %get3A_216 = vector.shape_cast %get3A_215 : vector<16xi32> to vector<16xi32>
    %mul3A_217 = arith.constant 2 : i32
    %mul3A_218 = vector.broadcast %mul3A_217 : i32 to vector<16xi32>
    %mul3A_219 = arith.muli %get3A_216, %mul3A_218 : vector<16xi32>
    %add3A_220 = vector.broadcast %arg0 : i32 to vector<16xi32>
    %add3A_221 = arith.addi %mul3A_219, %add3A_220 : vector<16xi32>
    %swap3A_222 = arith.constant 0 : i32
    %swap3A_223 = arith.constant 0 : i32
    %swap3A_224 = arith.constant 0 : i32
    %swap3A_225 = arith.constant 0 : i32
    %swap3A_226 = tpu.memref_slice %arg6[%swap3A_222, %swap3A_224, %swap3A_225] : memref<2x2x128xi32, #tpu.memory_space<vmem>> -> memref<1x2x128xi32, #tpu.memory_space<vmem>>
    %swap3A_227 = tpu.memref_squeeze %swap3A_226 : memref<1x2x128xi32, #tpu.memory_space<vmem>> -> memref<2x128xi32, #tpu.memory_space<vmem>>
    %swap3A_228 = arith.constant 0 : i32
    %swap3A_229 = tpu.memref_slice %swap3A_227[%swap3A_223, %swap3A_228] : memref<2x128xi32, #tpu.memory_space<vmem>> -> memref<1x128xi32, #tpu.memory_space<vmem>>
    %swap3A_230 = tpu.memref_squeeze %swap3A_229 : memref<1x128xi32, #tpu.memory_space<vmem>> -> memref<128xi32, #tpu.memory_space<vmem>>
    %swap3A_231 = arith.constant 80 : index
    %swap3A_232 = tpu.vector_load %swap3A_230[%swap3A_231] {strides = array<i32>} : memref<128xi32, #tpu.memory_space<vmem>>, vector<16xi32>,
    %swap3A_233 = vector.shape_cast %swap3A_232 : vector<16xi32> to vector<16xi32>
    %swap3A_234 = vector.shape_cast %add3A_221 : vector<16xi32> to vector<16xi32>
    tpu.vector_store %swap3A_230[%swap3A_231], %swap3A_234 {strides = array<i32>} : memref<128xi32, #tpu.memory_space<vmem>>, vector<16xi32>,
    %get3A_235 = arith.constant 0 : i32
    %get3A_236 = arith.constant 0 : i32
    %get3A_237 = arith.constant 0 : i32
    %get3A_238 = arith.constant 0 : i32
    %get3A_239 = tpu.memref_slice %arg6[%get3A_235, %get3A_237, %get3A_238] : memref<2x2x128xi32, #tpu.memory_space<vmem>> -> memref<1x2x128xi32, #tpu.memory_space<vmem>>
    %get3A_240 = tpu.memref_squeeze %get3A_239 : memref<1x2x128xi32, #tpu.memory_space<vmem>> -> memref<2x128xi32, #tpu.memory_space<vmem>>
    %get3A_241 = arith.constant 0 : i32
    %get3A_242 = tpu.memref_slice %get3A_240[%get3A_236, %get3A_241] : memref<2x128xi32, #tpu.memory_space<vmem>> -> memref<1x128xi32, #tpu.memory_space<vmem>>
    %get3A_243 = tpu.memref_squeeze %get3A_242 : memref<1x128xi32, #tpu.memory_space<vmem>> -> memref<128xi32, #tpu.memory_space<vmem>>
    %get3A_244 = arith.constant 96 : index
    %get3A_245 = tpu.vector_load %get3A_243[%get3A_244] {strides = array<i32>} : memref<128xi32, #tpu.memory_space<vmem>>, vector<16xi32>,
    %get3A_246 = vector.shape_cast %get3A_245 : vector<16xi32> to vector<16xi32>
    %mul3A_247 = arith.constant 2 : i32
    %mul3A_248 = vector.broadcast %mul3A_247 : i32 to vector<16xi32>
    %mul3A_249 = arith.muli %get3A_246, %mul3A_248 : vector<16xi32>
    %add3A_250 = vector.broadcast %arg0 : i32 to vector<16xi32>
    %add3A_251 = arith.addi %mul3A_249, %add3A_250 : vector<16xi32>
    %swap3A_252 = arith.constant 0 : i32
    %swap3A_253 = arith.constant 0 : i32
    %swap3A_254 = arith.constant 0 : i32
    %swap3A_255 = arith.constant 0 : i32
    %swap3A_256 = tpu.memref_slice %arg6[%swap3A_252, %swap3A_254, %swap3A_255] : memref<2x2x128xi32, #tpu.memory_space<vmem>> -> memref<1x2x128xi32, #tpu.memory_space<vmem>>
    %swap3A_257 = tpu.memref_squeeze %swap3A_256 : memref<1x2x128xi32, #tpu.memory_space<vmem>> -> memref<2x128xi32, #tpu.memory_space<vmem>>
    %swap3A_258 = arith.constant 0 : i32
    %swap3A_259 = tpu.memref_slice %swap3A_257[%swap3A_253, %swap3A_258] : memref<2x128xi32, #tpu.memory_space<vmem>> -> memref<1x128xi32, #tpu.memory_space<vmem>>
    %swap3A_260 = tpu.memref_squeeze %swap3A_259 : memref<1x128xi32, #tpu.memory_space<vmem>> -> memref<128xi32, #tpu.memory_space<vmem>>
    %swap3A_261 = arith.constant 96 : index
    %swap3A_262 = tpu.vector_load %swap3A_260[%swap3A_261] {strides = array<i32>} : memref<128xi32, #tpu.memory_space<vmem>>, vector<16xi32>,
    %swap3A_263 = vector.shape_cast %swap3A_262 : vector<16xi32> to vector<16xi32>
    %swap3A_264 = vector.shape_cast %add3A_251 : vector<16xi32> to vector<16xi32>
    tpu.vector_store %swap3A_260[%swap3A_261], %swap3A_264 {strides = array<i32>} : memref<128xi32, #tpu.memory_space<vmem>>, vector<16xi32>,
    %get3A_265 = arith.constant 0 : i32
    %get3A_266 = arith.constant 0 : i32
    %get3A_267 = arith.constant 0 : i32
    %get3A_268 = arith.constant 0 : i32
    %get3A_269 = tpu.memref_slice %arg6[%get3A_265, %get3A_267, %get3A_268] : memref<2x2x128xi32, #tpu.memory_space<vmem>> -> memref<1x2x128xi32, #tpu.memory_space<vmem>>
    %get3A_270 = tpu.memref_squeeze %get3A_269 : memref<1x2x128xi32, #tpu.memory_space<vmem>> -> memref<2x128xi32, #tpu.memory_space<vmem>>
    %get3A_271 = arith.constant 0 : i32
    %get3A_272 = tpu.memref_slice %get3A_270[%get3A_266, %get3A_271] : memref<2x128xi32, #tpu.memory_space<vmem>> -> memref<1x128xi32, #tpu.memory_space<vmem>>
    %get3A_273 = tpu.memref_squeeze %get3A_272 : memref<1x128xi32, #tpu.memory_space<vmem>> -> memref<128xi32, #tpu.memory_space<vmem>>
    %get3A_274 = arith.constant 112 : index
    %get3A_275 = tpu.vector_load %get3A_273[%get3A_274] {strides = array<i32>} : memref<128xi32, #tpu.memory_space<vmem>>, vector<16xi32>,
    %get3A_276 = vector.shape_cast %get3A_275 : vector<16xi32> to vector<16xi32>
    %mul3A_277 = arith.constant 2 : i32
    %mul3A_278 = vector.broadcast %mul3A_277 : i32 to vector<16xi32>
    %mul3A_279 = arith.muli %get3A_276, %mul3A_278 : vector<16xi32>
    %add3A_280 = vector.broadcast %arg0 : i32 to vector<16xi32>
    %add3A_281 = arith.addi %mul3A_279, %add3A_280 : vector<16xi32>
    %swap3A_282 = arith.constant 0 : i32
    %swap3A_283 = arith.constant 0 : i32
    %swap3A_284 = arith.constant 0 : i32
    %swap3A_285 = arith.constant 0 : i32
    %swap3A_286 = tpu.memref_slice %arg6[%swap3A_282, %swap3A_284, %swap3A_285] : memref<2x2x128xi32, #tpu.memory_space<vmem>> -> memref<1x2x128xi32, #tpu.memory_space<vmem>>
    %swap3A_287 = tpu.memref_squeeze %swap3A_286 : memref<1x2x128xi32, #tpu.memory_space<vmem>> -> memref<2x128xi32, #tpu.memory_space<vmem>>
    %swap3A_288 = arith.constant 0 : i32
    %swap3A_289 = tpu.memref_slice %swap3A_287[%swap3A_283, %swap3A_288] : memref<2x128xi32, #tpu.memory_space<vmem>> -> memref<1x128xi32, #tpu.memory_space<vmem>>
    %swap3A_290 = tpu.memref_squeeze %swap3A_289 : memref<1x128xi32, #tpu.memory_space<vmem>> -> memref<128xi32, #tpu.memory_space<vmem>>
    %swap3A_291 = arith.constant 112 : index
    %swap3A_292 = tpu.vector_load %swap3A_290[%swap3A_291] {strides = array<i32>} : memref<128xi32, #tpu.memory_space<vmem>>, vector<16xi32>,
    %swap3A_293 = vector.shape_cast %swap3A_292 : vector<16xi32> to vector<16xi32>
    %swap3A_294 = vector.shape_cast %add3A_281 : vector<16xi32> to vector<16xi32>
    tpu.vector_store %swap3A_290[%swap3A_291], %swap3A_294 {strides = array<i32>} : memref<128xi32, #tpu.memory_space<vmem>>, vector<16xi32>,
    %dma_start3A_295 = arith.constant 0 : i32
    %dma_start3A_296 = arith.constant 0 : i32
    %dma_start3A_297 = arith.constant 0 : i32
    %dma_start3A_298 = arith.constant 0 : i32
    %dma_start3A_299 = arith.constant 0 : i32
    %dma_start3A_300 = tpu.memref_slice %arg7[%dma_start3A_297, %dma_start3A_298, %dma_start3A_299] : memref<2x128x128xf32, #tpu.memory_space<vmem>> -> memref<1x128x128xf32, #tpu.memory_space<vmem>>
    %dma_start3A_301 = tpu.memref_squeeze %dma_start3A_300 : memref<1x128x128xf32, #tpu.memory_space<vmem>> -> memref<128x128xf32, #tpu.memory_space<vmem>>
    %dma_start3A_302 = arith.constant 0 : i32
    %dma_start3A_303 = arith.constant 0 : i32
    %dma_start3A_304 = tpu.memref_slice %arg6[%dma_start3A_295, %dma_start3A_302, %dma_start3A_303] : memref<2x2x128xi32, #tpu.memory_space<vmem>> -> memref<1x2x128xi32, #tpu.memory_space<vmem>>
    %dma_start3A_305 = tpu.memref_squeeze %dma_start3A_304 : memref<1x2x128xi32, #tpu.memory_space<vmem>> -> memref<2x128xi32, #tpu.memory_space<vmem>>
    %dma_start3A_306 = arith.constant 0 : i32
    %dma_start3A_307 = tpu.memref_slice %dma_start3A_305[%dma_start3A_296, %dma_start3A_306] : memref<2x128xi32, #tpu.memory_space<vmem>> -> memref<1x128xi32, #tpu.memory_space<vmem>>
    %dma_start3A_308 = tpu.memref_squeeze %dma_start3A_307 : memref<1x128xi32, #tpu.memory_space<vmem>> -> memref<128xi32, #tpu.memory_space<vmem>>
    %dma_start3A_309 = arith.constant 0 : i32
    %dma_start3A_310 = arith.constant 0 : i32
    %dma_start3A_311 = tpu.memref_slice %arg2[%dma_start3A_309, %dma_start3A_310] : memref<20000x128xf32, #tpu.memory_space<hbm>> -> memref<20000x128xf32, #tpu.memory_space<hbm>>
    tpu.enqueue_indirect_dma source(%dma_start3A_311 : memref<20000x128xf32, #tpu.memory_space<hbm>>) target(%dma_start3A_301 : memref<128x128xf32, #tpu.memory_space<vmem>>) offsets(%dma_start3A_308 : memref<128xi32, #tpu.memory_space<vmem>>) semaphore(%arg9 : memref<!tpu.dma_semaphore, #tpu.memory_space<semaphore_mem>>)
    %barrier3A = arith.constant 0 : index
    tpu.barrier barrier_id(%barrier3A)
    %scan3A = arith.constant 0 : i32
    %scan3A_312 = arith.constant 40 : i32
    %scan3A_313 = arith.addi %scan3A, %scan3A_312 : i32
    %scan3A_314 = arith.constant 1 : i32
    scf.for %scan3A_320 = %scan3A to %scan3A_313 step %scan3A_314  : i32 {
      %mul3A_321 = arith.constant 1 : i32
      %mul3A_322 = arith.muli %scan3A_320, %mul3A_321 : i32
      %add3A_323 = arith.constant 0 : i32
      %add3A_324 = arith.addi %add3A_323, %mul3A_322 : i32
      %mul3A_325 = arith.constant 2 : i32
      %mul3A_326 = arith.muli %mul3A_325, %add3A_324 : i32
      %add3A_327 = arith.constant 0 : i32
      %add3A_328 = arith.addi %mul3A_326, %add3A_327 : i32
      %lt3A_329 = arith.cmpi slt, %add3A_328, %add3A_3 : i32
      %convert_element_type3A = arith.extui %lt3A_329 : i1 to i32
      %cond3A = arith.constant 0 : i32
      %cond3A_330 = arith.cmpi ne, %convert_element_type3A, %cond3A : i32
      scf.if %cond3A_330 {
        %dma_wait3A_337 = arith.constant 0 : i32
        %dma_wait3A_338 = arith.constant 0 : i32
        %dma_wait3A_339 = arith.constant 0 : i32
        %dma_wait3A_340 = arith.constant 0 : i32
        %dma_wait3A_341 = arith.constant 0 : i32
        %dma_wait3A_342 = tpu.memref_slice %arg7[%dma_wait3A_339, %dma_wait3A_340, %dma_wait3A_341] : memref<2x128x128xf32, #tpu.memory_space<vmem>> -> memref<1x128x128xf32, #tpu.memory_space<vmem>>
        %dma_wait3A_343 = tpu.memref_squeeze %dma_wait3A_342 : memref<1x128x128xf32, #tpu.memory_space<vmem>> -> memref<128x128xf32, #tpu.memory_space<vmem>>
        %dma_wait3A_344 = arith.constant 0 : i32
        %dma_wait3A_345 = arith.constant 0 : i32
        %dma_wait3A_346 = tpu.memref_slice %arg6[%dma_wait3A_337, %dma_wait3A_344, %dma_wait3A_345] : memref<2x2x128xi32, #tpu.memory_space<vmem>> -> memref<1x2x128xi32, #tpu.memory_space<vmem>>
        %dma_wait3A_347 = tpu.memref_squeeze %dma_wait3A_346 : memref<1x2x128xi32, #tpu.memory_space<vmem>> -> memref<2x128xi32, #tpu.memory_space<vmem>>
        %dma_wait3A_348 = arith.constant 0 : i32
        %dma_wait3A_349 = tpu.memref_slice %dma_wait3A_347[%dma_wait3A_338, %dma_wait3A_348] : memref<2x128xi32, #tpu.memory_space<vmem>> -> memref<1x128xi32, #tpu.memory_space<vmem>>
        %dma_wait3A_350 = tpu.memref_squeeze %dma_wait3A_349 : memref<1x128xi32, #tpu.memory_space<vmem>> -> memref<128xi32, #tpu.memory_space<vmem>>
        %dma_wait3A_351 = arith.constant 0 : i32
        %dma_wait3A_352 = arith.constant 0 : i32
        %dma_wait3A_353 = tpu.memref_slice %arg2[%dma_wait3A_351, %dma_wait3A_352] : memref<20000x128xf32, #tpu.memory_space<hbm>> -> memref<20000x128xf32, #tpu.memory_space<hbm>>
        tpu.wait_indirect_dma semaphore(%arg9 : memref<!tpu.dma_semaphore, #tpu.memory_space<semaphore_mem>>) src(%dma_wait3A_353 : memref<20000x128xf32, #tpu.memory_space<hbm>>) dst(%dma_wait3A_343 : memref<128x128xf32, #tpu.memory_space<vmem>>)
        %add3A_354 = arith.constant 1 : i32
        %add3A_355 = arith.addi %add3A_328, %add3A_354 : i32
        %lt3A_356 = arith.cmpi slt, %add3A_355, %add3A_3 : i32
        %convert_element_type3A_357 = arith.extui %lt3A_356 : i1 to i32
        %cond3A_358 = arith.constant 0 : i32
        %cond3A_359 = arith.cmpi ne, %convert_element_type3A_357, %cond3A_358 : i32
        scf.if %cond3A_359 {
          %add3A_368 = arith.constant 1 : i32
          %add3A_369 = arith.addi %add3A_328, %add3A_368 : i32
          %add3A_370 = arith.addi %add3A_7, %add3A_369 : i32
          %mul3A_371 = arith.constant 128 : i32
          %mul3A_372 = arith.muli %add3A_370, %mul3A_371 : i32
          %dma_wait3A_373 = arith.constant 1 : i32
          %dma_wait3A_374 = arith.constant 0 : i32
          %dma_wait3A_375 = arith.constant 0 : i32
          %dma_wait3A_376 = tpu.memref_slice %arg6[%dma_wait3A_373, %dma_wait3A_374, %dma_wait3A_375] : memref<2x2x128xi32, #tpu.memory_space<vmem>> -> memref<1x2x128xi32, #tpu.memory_space<vmem>>
          %dma_wait3A_377 = tpu.memref_squeeze %dma_wait3A_376 : memref<1x2x128xi32, #tpu.memory_space<vmem>> -> memref<2x128xi32, #tpu.memory_space<vmem>>
          %dma_wait3A_378 = arith.constant 0 : i32
          %dma_wait3A_379 = tpu.memref_slice %arg3[%dma_wait3A_378, %mul3A_372] : memref<2x160000xi32, #tpu.memory_space<hbm>> -> memref<2x128xi32, #tpu.memory_space<hbm>>
          %dma_wait3A_380 = arith.constant 0 : i32
          %dma_wait3A_381 = arith.constant 0 : i32
          %dma_wait3A_382 = tpu.memref_slice %arg6[%dma_wait3A_373, %dma_wait3A_380, %dma_wait3A_381] : memref<2x2x128xi32, #tpu.memory_space<vmem>> -> memref<1x2x128xi32, #tpu.memory_space<vmem>>
          %dma_wait3A_383 = tpu.memref_squeeze %dma_wait3A_382 : memref<1x2x128xi32, #tpu.memory_space<vmem>> -> memref<2x128xi32, #tpu.memory_space<vmem>>
          %dma_wait3A_384 = arith.constant 0 : i32
          %dma_wait3A_385 = tpu.memref_slice %arg3[%dma_wait3A_384, %mul3A_372] : memref<2x160000xi32, #tpu.memory_space<hbm>> -> memref<2x128xi32, #tpu.memory_space<hbm>>
          tpu.wait_dma2 semaphore(%arg12 : memref<!tpu.dma_semaphore, #tpu.memory_space<semaphore_mem>>) src(%dma_wait3A_385 : memref<2x128xi32, #tpu.memory_space<hbm>>) dst(%dma_wait3A_383 : memref<2x128xi32, #tpu.memory_space<vmem>>)
          %get3A_386 = arith.constant 1 : i32
          %get3A_387 = arith.constant 0 : i32
          %get3A_388 = arith.constant 0 : i32
          %get3A_389 = arith.constant 0 : i32
          %get3A_390 = tpu.memref_slice %arg6[%get3A_386, %get3A_388, %get3A_389] : memref<2x2x128xi32, #tpu.memory_space<vmem>> -> memref<1x2x128xi32, #tpu.memory_space<vmem>>
          %get3A_391 = tpu.memref_squeeze %get3A_390 : memref<1x2x128xi32, #tpu.memory_space<vmem>> -> memref<2x128xi32, #tpu.memory_space<vmem>>
          %get3A_392 = arith.constant 0 : i32
          %get3A_393 = tpu.memref_slice %get3A_391[%get3A_387, %get3A_392] : memref<2x128xi32, #tpu.memory_space<vmem>> -> memref<1x128xi32, #tpu.memory_space<vmem>>
          %get3A_394 = tpu.memref_squeeze %get3A_393 : memref<1x128xi32, #tpu.memory_space<vmem>> -> memref<128xi32, #tpu.memory_space<vmem>>
          %get3A_395 = arith.constant 0 : index
          %get3A_396 = tpu.vector_load %get3A_394[%get3A_395] {strides = array<i32>} : memref<128xi32, #tpu.memory_space<vmem>>, vector<16xi32>,
          %get3A_397 = vector.shape_cast %get3A_396 : vector<16xi32> to vector<16xi32>
          %mul3A_398 = arith.constant 2 : i32
          %mul3A_399 = vector.broadcast %mul3A_398 : i32 to vector<16xi32>
          %mul3A_400 = arith.muli %get3A_397, %mul3A_399 : vector<16xi32>
          %add3A_401 = vector.broadcast %arg0 : i32 to vector<16xi32>
          %add3A_402 = arith.addi %mul3A_400, %add3A_401 : vector<16xi32>
          %swap3A_403 = arith.constant 1 : i32
          %swap3A_404 = arith.constant 0 : i32
          %swap3A_405 = arith.constant 0 : i32
          %swap3A_406 = arith.constant 0 : i32
          %swap3A_407 = tpu.memref_slice %arg6[%swap3A_403, %swap3A_405, %swap3A_406] : memref<2x2x128xi32, #tpu.memory_space<vmem>> -> memref<1x2x128xi32, #tpu.memory_space<vmem>>
          %swap3A_408 = tpu.memref_squeeze %swap3A_407 : memref<1x2x128xi32, #tpu.memory_space<vmem>> -> memref<2x128xi32, #tpu.memory_space<vmem>>
          %swap3A_409 = arith.constant 0 : i32
          %swap3A_410 = tpu.memref_slice %swap3A_408[%swap3A_404, %swap3A_409] : memref<2x128xi32, #tpu.memory_space<vmem>> -> memref<1x128xi32, #tpu.memory_space<vmem>>
          %swap3A_411 = tpu.memref_squeeze %swap3A_410 : memref<1x128xi32, #tpu.memory_space<vmem>> -> memref<128xi32, #tpu.memory_space<vmem>>
          %swap3A_412 = arith.constant 0 : index
          %swap3A_413 = tpu.vector_load %swap3A_411[%swap3A_412] {strides = array<i32>} : memref<128xi32, #tpu.memory_space<vmem>>, vector<16xi32>,
          %swap3A_414 = vector.shape_cast %swap3A_413 : vector<16xi32> to vector<16xi32>
          %swap3A_415 = vector.shape_cast %add3A_402 : vector<16xi32> to vector<16xi32>
          tpu.vector_store %swap3A_411[%swap3A_412], %swap3A_415 {strides = array<i32>} : memref<128xi32, #tpu.memory_space<vmem>>, vector<16xi32>,
          %get3A_416 = arith.constant 1 : i32
          %get3A_417 = arith.constant 0 : i32
          %get3A_418 = arith.constant 0 : i32
          %get3A_419 = arith.constant 0 : i32
          %get3A_420 = tpu.memref_slice %arg6[%get3A_416, %get3A_418, %get3A_419] : memref<2x2x128xi32, #tpu.memory_space<vmem>> -> memref<1x2x128xi32, #tpu.memory_space<vmem>>
          %get3A_421 = tpu.memref_squeeze %get3A_420 : memref<1x2x128xi32, #tpu.memory_space<vmem>> -> memref<2x128xi32, #tpu.memory_space<vmem>>
          %get3A_422 = arith.constant 0 : i32
          %get3A_423 = tpu.memref_slice %get3A_421[%get3A_417, %get3A_422] : memref<2x128xi32, #tpu.memory_space<vmem>> -> memref<1x128xi32, #tpu.memory_space<vmem>>
          %get3A_424 = tpu.memref_squeeze %get3A_423 : memref<1x128xi32, #tpu.memory_space<vmem>> -> memref<128xi32, #tpu.memory_space<vmem>>
          %get3A_425 = arith.constant 16 : index
          %get3A_426 = tpu.vector_load %get3A_424[%get3A_425] {strides = array<i32>} : memref<128xi32, #tpu.memory_space<vmem>>, vector<16xi32>,
          %get3A_427 = vector.shape_cast %get3A_426 : vector<16xi32> to vector<16xi32>
          %mul3A_428 = arith.constant 2 : i32
          %mul3A_429 = vector.broadcast %mul3A_428 : i32 to vector<16xi32>
          %mul3A_430 = arith.muli %get3A_427, %mul3A_429 : vector<16xi32>
          %add3A_431 = vector.broadcast %arg0 : i32 to vector<16xi32>
          %add3A_432 = arith.addi %mul3A_430, %add3A_431 : vector<16xi32>
          %swap3A_433 = arith.constant 1 : i32
          %swap3A_434 = arith.constant 0 : i32
          %swap3A_435 = arith.constant 0 : i32
          %swap3A_436 = arith.constant 0 : i32
          %swap3A_437 = tpu.memref_slice %arg6[%swap3A_433, %swap3A_435, %swap3A_436] : memref<2x2x128xi32, #tpu.memory_space<vmem>> -> memref<1x2x128xi32, #tpu.memory_space<vmem>>
          %swap3A_438 = tpu.memref_squeeze %swap3A_437 : memref<1x2x128xi32, #tpu.memory_space<vmem>> -> memref<2x128xi32, #tpu.memory_space<vmem>>
          %swap3A_439 = arith.constant 0 : i32
          %swap3A_440 = tpu.memref_slice %swap3A_438[%swap3A_434, %swap3A_439] : memref<2x128xi32, #tpu.memory_space<vmem>> -> memref<1x128xi32, #tpu.memory_space<vmem>>
          %swap3A_441 = tpu.memref_squeeze %swap3A_440 : memref<1x128xi32, #tpu.memory_space<vmem>> -> memref<128xi32, #tpu.memory_space<vmem>>
          %swap3A_442 = arith.constant 16 : index
          %swap3A_443 = tpu.vector_load %swap3A_441[%swap3A_442] {strides = array<i32>} : memref<128xi32, #tpu.memory_space<vmem>>, vector<16xi32>,
          %swap3A_444 = vector.shape_cast %swap3A_443 : vector<16xi32> to vector<16xi32>
          %swap3A_445 = vector.shape_cast %add3A_432 : vector<16xi32> to vector<16xi32>
          tpu.vector_store %swap3A_441[%swap3A_442], %swap3A_445 {strides = array<i32>} : memref<128xi32, #tpu.memory_space<vmem>>, vector<16xi32>,
          %get3A_446 = arith.constant 1 : i32
          %get3A_447 = arith.constant 0 : i32
          %get3A_448 = arith.constant 0 : i32
          %get3A_449 = arith.constant 0 : i32
          %get3A_450 = tpu.memref_slice %arg6[%get3A_446, %get3A_448, %get3A_449] : memref<2x2x128xi32, #tpu.memory_space<vmem>> -> memref<1x2x128xi32, #tpu.memory_space<vmem>>
          %get3A_451 = tpu.memref_squeeze %get3A_450 : memref<1x2x128xi32, #tpu.memory_space<vmem>> -> memref<2x128xi32, #tpu.memory_space<vmem>>
          %get3A_452 = arith.constant 0 : i32
          %get3A_453 = tpu.memref_slice %get3A_451[%get3A_447, %get3A_452] : memref<2x128xi32, #tpu.memory_space<vmem>> -> memref<1x128xi32, #tpu.memory_space<vmem>>
          %get3A_454 = tpu.memref_squeeze %get3A_453 : memref<1x128xi32, #tpu.memory_space<vmem>> -> memref<128xi32, #tpu.memory_space<vmem>>
          %get3A_455 = arith.constant 32 : index
          %get3A_456 = tpu.vector_load %get3A_454[%get3A_455] {strides = array<i32>} : memref<128xi32, #tpu.memory_space<vmem>>, vector<16xi32>,
          %get3A_457 = vector.shape_cast %get3A_456 : vector<16xi32> to vector<16xi32>
          %mul3A_458 = arith.constant 2 : i32
          %mul3A_459 = vector.broadcast %mul3A_458 : i32 to vector<16xi32>
          %mul3A_460 = arith.muli %get3A_457, %mul3A_459 : vector<16xi32>
          %add3A_461 = vector.broadcast %arg0 : i32 to vector<16xi32>
          %add3A_462 = arith.addi %mul3A_460, %add3A_461 : vector<16xi32>
          %swap3A_463 = arith.constant 1 : i32
          %swap3A_464 = arith.constant 0 : i32
          %swap3A_465 = arith.constant 0 : i32
          %swap3A_466 = arith.constant 0 : i32
          %swap3A_467 = tpu.memref_slice %arg6[%swap3A_463, %swap3A_465, %swap3A_466] : memref<2x2x128xi32, #tpu.memory_space<vmem>> -> memref<1x2x128xi32, #tpu.memory_space<vmem>>
          %swap3A_468 = tpu.memref_squeeze %swap3A_467 : memref<1x2x128xi32, #tpu.memory_space<vmem>> -> memref<2x128xi32, #tpu.memory_space<vmem>>
          %swap3A_469 = arith.constant 0 : i32
          %swap3A_470 = tpu.memref_slice %swap3A_468[%swap3A_464, %swap3A_469] : memref<2x128xi32, #tpu.memory_space<vmem>> -> memref<1x128xi32, #tpu.memory_space<vmem>>
          %swap3A_471 = tpu.memref_squeeze %swap3A_470 : memref<1x128xi32, #tpu.memory_space<vmem>> -> memref<128xi32, #tpu.memory_space<vmem>>
          %swap3A_472 = arith.constant 32 : index
          %swap3A_473 = tpu.vector_load %swap3A_471[%swap3A_472] {strides = array<i32>} : memref<128xi32, #tpu.memory_space<vmem>>, vector<16xi32>,
          %swap3A_474 = vector.shape_cast %swap3A_473 : vector<16xi32> to vector<16xi32>
          %swap3A_475 = vector.shape_cast %add3A_462 : vector<16xi32> to vector<16xi32>
          tpu.vector_store %swap3A_471[%swap3A_472], %swap3A_475 {strides = array<i32>} : memref<128xi32, #tpu.memory_space<vmem>>, vector<16xi32>,
          %get3A_476 = arith.constant 1 : i32
          %get3A_477 = arith.constant 0 : i32
          %get3A_478 = arith.constant 0 : i32
          %get3A_479 = arith.constant 0 : i32
          %get3A_480 = tpu.memref_slice %arg6[%get3A_476, %get3A_478, %get3A_479] : memref<2x2x128xi32, #tpu.memory_space<vmem>> -> memref<1x2x128xi32, #tpu.memory_space<vmem>>
          %get3A_481 = tpu.memref_squeeze %get3A_480 : memref<1x2x128xi32, #tpu.memory_space<vmem>> -> memref<2x128xi32, #tpu.memory_space<vmem>>
          %get3A_482 = arith.constant 0 : i32
          %get3A_483 = tpu.memref_slice %get3A_481[%get3A_477, %get3A_482] : memref<2x128xi32, #tpu.memory_space<vmem>> -> memref<1x128xi32, #tpu.memory_space<vmem>>
          %get3A_484 = tpu.memref_squeeze %get3A_483 : memref<1x128xi32, #tpu.memory_space<vmem>> -> memref<128xi32, #tpu.memory_space<vmem>>
          %get3A_485 = arith.constant 48 : index
          %get3A_486 = tpu.vector_load %get3A_484[%get3A_485] {strides = array<i32>} : memref<128xi32, #tpu.memory_space<vmem>>, vector<16xi32>,
          %get3A_487 = vector.shape_cast %get3A_486 : vector<16xi32> to vector<16xi32>
          %mul3A_488 = arith.constant 2 : i32
          %mul3A_489 = vector.broadcast %mul3A_488 : i32 to vector<16xi32>
          %mul3A_490 = arith.muli %get3A_487, %mul3A_489 : vector<16xi32>
          %add3A_491 = vector.broadcast %arg0 : i32 to vector<16xi32>
          %add3A_492 = arith.addi %mul3A_490, %add3A_491 : vector<16xi32>
          %swap3A_493 = arith.constant 1 : i32
          %swap3A_494 = arith.constant 0 : i32
          %swap3A_495 = arith.constant 0 : i32
          %swap3A_496 = arith.constant 0 : i32
          %swap3A_497 = tpu.memref_slice %arg6[%swap3A_493, %swap3A_495, %swap3A_496] : memref<2x2x128xi32, #tpu.memory_space<vmem>> -> memref<1x2x128xi32, #tpu.memory_space<vmem>>
          %swap3A_498 = tpu.memref_squeeze %swap3A_497 : memref<1x2x128xi32, #tpu.memory_space<vmem>> -> memref<2x128xi32, #tpu.memory_space<vmem>>
          %swap3A_499 = arith.constant 0 : i32
          %swap3A_500 = tpu.memref_slice %swap3A_498[%swap3A_494, %swap3A_499] : memref<2x128xi32, #tpu.memory_space<vmem>> -> memref<1x128xi32, #tpu.memory_space<vmem>>
          %swap3A_501 = tpu.memref_squeeze %swap3A_500 : memref<1x128xi32, #tpu.memory_space<vmem>> -> memref<128xi32, #tpu.memory_space<vmem>>
          %swap3A_502 = arith.constant 48 : index
          %swap3A_503 = tpu.vector_load %swap3A_501[%swap3A_502] {strides = array<i32>} : memref<128xi32, #tpu.memory_space<vmem>>, vector<16xi32>,
          %swap3A_504 = vector.shape_cast %swap3A_503 : vector<16xi32> to vector<16xi32>
          %swap3A_505 = vector.shape_cast %add3A_492 : vector<16xi32> to vector<16xi32>
          tpu.vector_store %swap3A_501[%swap3A_502], %swap3A_505 {strides = array<i32>} : memref<128xi32, #tpu.memory_space<vmem>>, vector<16xi32>,
          %get3A_506 = arith.constant 1 : i32
          %get3A_507 = arith.constant 0 : i32
          %get3A_508 = arith.constant 0 : i32
          %get3A_509 = arith.constant 0 : i32
          %get3A_510 = tpu.memref_slice %arg6[%get3A_506, %get3A_508, %get3A_509] : memref<2x2x128xi32, #tpu.memory_space<vmem>> -> memref<1x2x128xi32, #tpu.memory_space<vmem>>
          %get3A_511 = tpu.memref_squeeze %get3A_510 : memref<1x2x128xi32, #tpu.memory_space<vmem>> -> memref<2x128xi32, #tpu.memory_space<vmem>>
          %get3A_512 = arith.constant 0 : i32
          %get3A_513 = tpu.memref_slice %get3A_511[%get3A_507, %get3A_512] : memref<2x128xi32, #tpu.memory_space<vmem>> -> memref<1x128xi32, #tpu.memory_space<vmem>>
          %get3A_514 = tpu.memref_squeeze %get3A_513 : memref<1x128xi32, #tpu.memory_space<vmem>> -> memref<128xi32, #tpu.memory_space<vmem>>
          %get3A_515 = arith.constant 64 : index
          %get3A_516 = tpu.vector_load %get3A_514[%get3A_515] {strides = array<i32>} : memref<128xi32, #tpu.memory_space<vmem>>, vector<16xi32>,
          %get3A_517 = vector.shape_cast %get3A_516 : vector<16xi32> to vector<16xi32>
          %mul3A_518 = arith.constant 2 : i32
          %mul3A_519 = vector.broadcast %mul3A_518 : i32 to vector<16xi32>
          %mul3A_520 = arith.muli %get3A_517, %mul3A_519 : vector<16xi32>
          %add3A_521 = vector.broadcast %arg0 : i32 to vector<16xi32>
          %add3A_522 = arith.addi %mul3A_520, %add3A_521 : vector<16xi32>
          %swap3A_523 = arith.constant 1 : i32
          %swap3A_524 = arith.constant 0 : i32
          %swap3A_525 = arith.constant 0 : i32
          %swap3A_526 = arith.constant 0 : i32
          %swap3A_527 = tpu.memref_slice %arg6[%swap3A_523, %swap3A_525, %swap3A_526] : memref<2x2x128xi32, #tpu.memory_space<vmem>> -> memref<1x2x128xi32, #tpu.memory_space<vmem>>
          %swap3A_528 = tpu.memref_squeeze %swap3A_527 : memref<1x2x128xi32, #tpu.memory_space<vmem>> -> memref<2x128xi32, #tpu.memory_space<vmem>>
          %swap3A_529 = arith.constant 0 : i32
          %swap3A_530 = tpu.memref_slice %swap3A_528[%swap3A_524, %swap3A_529] : memref<2x128xi32, #tpu.memory_space<vmem>> -> memref<1x128xi32, #tpu.memory_space<vmem>>
          %swap3A_531 = tpu.memref_squeeze %swap3A_530 : memref<1x128xi32, #tpu.memory_space<vmem>> -> memref<128xi32, #tpu.memory_space<vmem>>
          %swap3A_532 = arith.constant 64 : index
          %swap3A_533 = tpu.vector_load %swap3A_531[%swap3A_532] {strides = array<i32>} : memref<128xi32, #tpu.memory_space<vmem>>, vector<16xi32>,
          %swap3A_534 = vector.shape_cast %swap3A_533 : vector<16xi32> to vector<16xi32>
          %swap3A_535 = vector.shape_cast %add3A_522 : vector<16xi32> to vector<16xi32>
          tpu.vector_store %swap3A_531[%swap3A_532], %swap3A_535 {strides = array<i32>} : memref<128xi32, #tpu.memory_space<vmem>>, vector<16xi32>,
          %get3A_536 = arith.constant 1 : i32
          %get3A_537 = arith.constant 0 : i32
          %get3A_538 = arith.constant 0 : i32
          %get3A_539 = arith.constant 0 : i32
          %get3A_540 = tpu.memref_slice %arg6[%get3A_536, %get3A_538, %get3A_539] : memref<2x2x128xi32, #tpu.memory_space<vmem>> -> memref<1x2x128xi32, #tpu.memory_space<vmem>>
          %get3A_541 = tpu.memref_squeeze %get3A_540 : memref<1x2x128xi32, #tpu.memory_space<vmem>> -> memref<2x128xi32, #tpu.memory_space<vmem>>
          %get3A_542 = arith.constant 0 : i32
          %get3A_543 = tpu.memref_slice %get3A_541[%get3A_537, %get3A_542] : memref<2x128xi32, #tpu.memory_space<vmem>> -> memref<1x128xi32, #tpu.memory_space<vmem>>
          %get3A_544 = tpu.memref_squeeze %get3A_543 : memref<1x128xi32, #tpu.memory_space<vmem>> -> memref<128xi32, #tpu.memory_space<vmem>>
          %get3A_545 = arith.constant 80 : index
          %get3A_546 = tpu.vector_load %get3A_544[%get3A_545] {strides = array<i32>} : memref<128xi32, #tpu.memory_space<vmem>>, vector<16xi32>,
          %get3A_547 = vector.shape_cast %get3A_546 : vector<16xi32> to vector<16xi32>
          %mul3A_548 = arith.constant 2 : i32
          %mul3A_549 = vector.broadcast %mul3A_548 : i32 to vector<16xi32>
          %mul3A_550 = arith.muli %get3A_547, %mul3A_549 : vector<16xi32>
          %add3A_551 = vector.broadcast %arg0 : i32 to vector<16xi32>
          %add3A_552 = arith.addi %mul3A_550, %add3A_551 : vector<16xi32>
          %swap3A_553 = arith.constant 1 : i32
          %swap3A_554 = arith.constant 0 : i32
          %swap3A_555 = arith.constant 0 : i32
          %swap3A_556 = arith.constant 0 : i32
          %swap3A_557 = tpu.memref_slice %arg6[%swap3A_553, %swap3A_555, %swap3A_556] : memref<2x2x128xi32, #tpu.memory_space<vmem>> -> memref<1x2x128xi32, #tpu.memory_space<vmem>>
          %swap3A_558 = tpu.memref_squeeze %swap3A_557 : memref<1x2x128xi32, #tpu.memory_space<vmem>> -> memref<2x128xi32, #tpu.memory_space<vmem>>
          %swap3A_559 = arith.constant 0 : i32
          %swap3A_560 = tpu.memref_slice %swap3A_558[%swap3A_554, %swap3A_559] : memref<2x128xi32, #tpu.memory_space<vmem>> -> memref<1x128xi32, #tpu.memory_space<vmem>>
          %swap3A_561 = tpu.memref_squeeze %swap3A_560 : memref<1x128xi32, #tpu.memory_space<vmem>> -> memref<128xi32, #tpu.memory_space<vmem>>
          %swap3A_562 = arith.constant 80 : index
          %swap3A_563 = tpu.vector_load %swap3A_561[%swap3A_562] {strides = array<i32>} : memref<128xi32, #tpu.memory_space<vmem>>, vector<16xi32>,
          %swap3A_564 = vector.shape_cast %swap3A_563 : vector<16xi32> to vector<16xi32>
          %swap3A_565 = vector.shape_cast %add3A_552 : vector<16xi32> to vector<16xi32>
          tpu.vector_store %swap3A_561[%swap3A_562], %swap3A_565 {strides = array<i32>} : memref<128xi32, #tpu.memory_space<vmem>>, vector<16xi32>,
          %get3A_566 = arith.constant 1 : i32
          %get3A_567 = arith.constant 0 : i32
          %get3A_568 = arith.constant 0 : i32
          %get3A_569 = arith.constant 0 : i32
          %get3A_570 = tpu.memref_slice %arg6[%get3A_566, %get3A_568, %get3A_569] : memref<2x2x128xi32, #tpu.memory_space<vmem>> -> memref<1x2x128xi32, #tpu.memory_space<vmem>>
          %get3A_571 = tpu.memref_squeeze %get3A_570 : memref<1x2x128xi32, #tpu.memory_space<vmem>> -> memref<2x128xi32, #tpu.memory_space<vmem>>
          %get3A_572 = arith.constant 0 : i32
          %get3A_573 = tpu.memref_slice %get3A_571[%get3A_567, %get3A_572] : memref<2x128xi32, #tpu.memory_space<vmem>> -> memref<1x128xi32, #tpu.memory_space<vmem>>
          %get3A_574 = tpu.memref_squeeze %get3A_573 : memref<1x128xi32, #tpu.memory_space<vmem>> -> memref<128xi32, #tpu.memory_space<vmem>>
          %get3A_575 = arith.constant 96 : index
          %get3A_576 = tpu.vector_load %get3A_574[%get3A_575] {strides = array<i32>} : memref<128xi32, #tpu.memory_space<vmem>>, vector<16xi32>,
          %get3A_577 = vector.shape_cast %get3A_576 : vector<16xi32> to vector<16xi32>
          %mul3A_578 = arith.constant 2 : i32
          %mul3A_579 = vector.broadcast %mul3A_578 : i32 to vector<16xi32>
          %mul3A_580 = arith.muli %get3A_577, %mul3A_579 : vector<16xi32>
          %add3A_581 = vector.broadcast %arg0 : i32 to vector<16xi32>
          %add3A_582 = arith.addi %mul3A_580, %add3A_581 : vector<16xi32>
          %swap3A_583 = arith.constant 1 : i32
          %swap3A_584 = arith.constant 0 : i32
          %swap3A_585 = arith.constant 0 : i32
          %swap3A_586 = arith.constant 0 : i32
          %swap3A_587 = tpu.memref_slice %arg6[%swap3A_583, %swap3A_585, %swap3A_586] : memref<2x2x128xi32, #tpu.memory_space<vmem>> -> memref<1x2x128xi32, #tpu.memory_space<vmem>>
          %swap3A_588 = tpu.memref_squeeze %swap3A_587 : memref<1x2x128xi32, #tpu.memory_space<vmem>> -> memref<2x128xi32, #tpu.memory_space<vmem>>
          %swap3A_589 = arith.constant 0 : i32
          %swap3A_590 = tpu.memref_slice %swap3A_588[%swap3A_584, %swap3A_589] : memref<2x128xi32, #tpu.memory_space<vmem>> -> memref<1x128xi32, #tpu.memory_space<vmem>>
          %swap3A_591 = tpu.memref_squeeze %swap3A_590 : memref<1x128xi32, #tpu.memory_space<vmem>> -> memref<128xi32, #tpu.memory_space<vmem>>
          %swap3A_592 = arith.constant 96 : index
          %swap3A_593 = tpu.vector_load %swap3A_591[%swap3A_592] {strides = array<i32>} : memref<128xi32, #tpu.memory_space<vmem>>, vector<16xi32>,
          %swap3A_594 = vector.shape_cast %swap3A_593 : vector<16xi32> to vector<16xi32>
          %swap3A_595 = vector.shape_cast %add3A_582 : vector<16xi32> to vector<16xi32>
          tpu.vector_store %swap3A_591[%swap3A_592], %swap3A_595 {strides = array<i32>} : memref<128xi32, #tpu.memory_space<vmem>>, vector<16xi32>,
          %get3A_596 = arith.constant 1 : i32
          %get3A_597 = arith.constant 0 : i32
          %get3A_598 = arith.constant 0 : i32
          %get3A_599 = arith.constant 0 : i32
          %get3A_600 = tpu.memref_slice %arg6[%get3A_596, %get3A_598, %get3A_599] : memref<2x2x128xi32, #tpu.memory_space<vmem>> -> memref<1x2x128xi32, #tpu.memory_space<vmem>>
          %get3A_601 = tpu.memref_squeeze %get3A_600 : memref<1x2x128xi32, #tpu.memory_space<vmem>> -> memref<2x128xi32, #tpu.memory_space<vmem>>
          %get3A_602 = arith.constant 0 : i32
          %get3A_603 = tpu.memref_slice %get3A_601[%get3A_597, %get3A_602] : memref<2x128xi32, #tpu.memory_space<vmem>> -> memref<1x128xi32, #tpu.memory_space<vmem>>
          %get3A_604 = tpu.memref_squeeze %get3A_603 : memref<1x128xi32, #tpu.memory_space<vmem>> -> memref<128xi32, #tpu.memory_space<vmem>>
          %get3A_605 = arith.constant 112 : index
          %get3A_606 = tpu.vector_load %get3A_604[%get3A_605] {strides = array<i32>} : memref<128xi32, #tpu.memory_space<vmem>>, vector<16xi32>,
          %get3A_607 = vector.shape_cast %get3A_606 : vector<16xi32> to vector<16xi32>
          %mul3A_608 = arith.constant 2 : i32
          %mul3A_609 = vector.broadcast %mul3A_608 : i32 to vector<16xi32>
          %mul3A_610 = arith.muli %get3A_607, %mul3A_609 : vector<16xi32>
          %add3A_611 = vector.broadcast %arg0 : i32 to vector<16xi32>
          %add3A_612 = arith.addi %mul3A_610, %add3A_611 : vector<16xi32>
          %swap3A_613 = arith.constant 1 : i32
          %swap3A_614 = arith.constant 0 : i32
          %swap3A_615 = arith.constant 0 : i32
          %swap3A_616 = arith.constant 0 : i32
          %swap3A_617 = tpu.memref_slice %arg6[%swap3A_613, %swap3A_615, %swap3A_616] : memref<2x2x128xi32, #tpu.memory_space<vmem>> -> memref<1x2x128xi32, #tpu.memory_space<vmem>>
          %swap3A_618 = tpu.memref_squeeze %swap3A_617 : memref<1x2x128xi32, #tpu.memory_space<vmem>> -> memref<2x128xi32, #tpu.memory_space<vmem>>
          %swap3A_619 = arith.constant 0 : i32
          %swap3A_620 = tpu.memref_slice %swap3A_618[%swap3A_614, %swap3A_619] : memref<2x128xi32, #tpu.memory_space<vmem>> -> memref<1x128xi32, #tpu.memory_space<vmem>>
          %swap3A_621 = tpu.memref_squeeze %swap3A_620 : memref<1x128xi32, #tpu.memory_space<vmem>> -> memref<128xi32, #tpu.memory_space<vmem>>
          %swap3A_622 = arith.constant 112 : index
          %swap3A_623 = tpu.vector_load %swap3A_621[%swap3A_622] {strides = array<i32>} : memref<128xi32, #tpu.memory_space<vmem>>, vector<16xi32>,
          %swap3A_624 = vector.shape_cast %swap3A_623 : vector<16xi32> to vector<16xi32>
          %swap3A_625 = vector.shape_cast %add3A_612 : vector<16xi32> to vector<16xi32>
          tpu.vector_store %swap3A_621[%swap3A_622], %swap3A_625 {strides = array<i32>} : memref<128xi32, #tpu.memory_space<vmem>>, vector<16xi32>,
          %add3A_626 = arith.constant 1 : i32
          %add3A_627 = arith.addi %add3A_328, %add3A_626 : i32
          %dma_start3A_628 = arith.constant 1 : i32
          %dma_start3A_629 = arith.constant 0 : i32
          %dma_start3A_630 = arith.constant 1 : i32
          %dma_start3A_631 = arith.constant 0 : i32
          %dma_start3A_632 = arith.constant 0 : i32
          %dma_start3A_633 = tpu.memref_slice %arg7[%dma_start3A_630, %dma_start3A_631, %dma_start3A_632] : memref<2x128x128xf32, #tpu.memory_space<vmem>> -> memref<1x128x128xf32, #tpu.memory_space<vmem>>
          %dma_start3A_634 = tpu.memref_squeeze %dma_start3A_633 : memref<1x128x128xf32, #tpu.memory_space<vmem>> -> memref<128x128xf32, #tpu.memory_space<vmem>>
          %dma_start3A_635 = arith.constant 0 : i32
          %dma_start3A_636 = arith.constant 0 : i32
          %dma_start3A_637 = tpu.memref_slice %arg6[%dma_start3A_628, %dma_start3A_635, %dma_start3A_636] : memref<2x2x128xi32, #tpu.memory_space<vmem>> -> memref<1x2x128xi32, #tpu.memory_space<vmem>>
          %dma_start3A_638 = tpu.memref_squeeze %dma_start3A_637 : memref<1x2x128xi32, #tpu.memory_space<vmem>> -> memref<2x128xi32, #tpu.memory_space<vmem>>
          %dma_start3A_639 = arith.constant 0 : i32
          %dma_start3A_640 = tpu.memref_slice %dma_start3A_638[%dma_start3A_629, %dma_start3A_639] : memref<2x128xi32, #tpu.memory_space<vmem>> -> memref<1x128xi32, #tpu.memory_space<vmem>>
          %dma_start3A_641 = tpu.memref_squeeze %dma_start3A_640 : memref<1x128xi32, #tpu.memory_space<vmem>> -> memref<128xi32, #tpu.memory_space<vmem>>
          %dma_start3A_642 = arith.constant 0 : i32
          %dma_start3A_643 = arith.constant 0 : i32
          %dma_start3A_644 = tpu.memref_slice %arg2[%dma_start3A_642, %dma_start3A_643] : memref<20000x128xf32, #tpu.memory_space<hbm>> -> memref<20000x128xf32, #tpu.memory_space<hbm>>
          tpu.enqueue_indirect_dma source(%dma_start3A_644 : memref<20000x128xf32, #tpu.memory_space<hbm>>) target(%dma_start3A_634 : memref<128x128xf32, #tpu.memory_space<vmem>>) offsets(%dma_start3A_641 : memref<128xi32, #tpu.memory_space<vmem>>) semaphore(%arg10 : memref<!tpu.dma_semaphore, #tpu.memory_space<semaphore_mem>>)
        } else {
        }
        %run_scoped3A = arith.constant 0 : i32
        %run_scoped3A_360 = arith.constant 0 : i32
        %run_scoped3A_361 = arith.constant 1 : i32
        "tpu.region"() ({
          %run_scoped3A_368 = tpu.sem_alloc : memref<!tpu.dma_semaphore, #tpu.memory_space<semaphore_mem>>
          %dma_start3A_369 = arith.constant 0 : i32
          %dma_start3A_370 = arith.constant 0 : i32
          %dma_start3A_371 = tpu.memref_slice %arg7[%run_scoped3A, %dma_start3A_369, %dma_start3A_370] : memref<2x128x128xf32, #tpu.memory_space<vmem>> -> memref<1x128x128xf32, #tpu.memory_space<vmem>>
          %dma_start3A_372 = tpu.memref_squeeze %dma_start3A_371 : memref<1x128x128xf32, #tpu.memory_space<vmem>> -> memref<128x128xf32, #tpu.memory_space<vmem>>
          %dma_start3A_373 = arith.constant 0 : i32
          %dma_start3A_374 = arith.constant 0 : i32
          %dma_start3A_375 = tpu.memref_slice %arg6[%run_scoped3A_360, %dma_start3A_373, %dma_start3A_374] : memref<2x2x128xi32, #tpu.memory_space<vmem>> -> memref<1x2x128xi32, #tpu.memory_space<vmem>>
          %dma_start3A_376 = tpu.memref_squeeze %dma_start3A_375 : memref<1x2x128xi32, #tpu.memory_space<vmem>> -> memref<2x128xi32, #tpu.memory_space<vmem>>
          %dma_start3A_377 = arith.constant 0 : i32
          %dma_start3A_378 = tpu.memref_slice %dma_start3A_376[%run_scoped3A_361, %dma_start3A_377] : memref<2x128xi32, #tpu.memory_space<vmem>> -> memref<1x128xi32, #tpu.memory_space<vmem>>
          %dma_start3A_379 = tpu.memref_squeeze %dma_start3A_378 : memref<1x128xi32, #tpu.memory_space<vmem>> -> memref<128xi32, #tpu.memory_space<vmem>>
          %dma_start3A_380 = arith.constant 0 : i32
          %dma_start3A_381 = arith.constant 0 : i32
          %dma_start3A_382 = tpu.memref_slice %arg8[%dma_start3A_380, %dma_start3A_381] : memref<10240x128xf32, #tpu.memory_space<vmem_shared>> -> memref<10240x128xf32, #tpu.memory_space<vmem_shared>>
          tpu.enqueue_indirect_dma source(%dma_start3A_372 : memref<128x128xf32, #tpu.memory_space<vmem>>) target(%dma_start3A_382 : memref<10240x128xf32, #tpu.memory_space<vmem_shared>>) offsets(%dma_start3A_379 : memref<128xi32, #tpu.memory_space<vmem>>) semaphore(%run_scoped3A_368 : memref<!tpu.dma_semaphore, #tpu.memory_space<semaphore_mem>>) {add = true}
          %dma_wait3A_383 = arith.constant 0 : i32
          %dma_wait3A_384 = arith.constant 0 : i32
          %dma_wait3A_385 = tpu.memref_slice %arg7[%run_scoped3A, %dma_wait3A_383, %dma_wait3A_384] : memref<2x128x128xf32, #tpu.memory_space<vmem>> -> memref<1x128x128xf32, #tpu.memory_space<vmem>>
          %dma_wait3A_386 = tpu.memref_squeeze %dma_wait3A_385 : memref<1x128x128xf32, #tpu.memory_space<vmem>> -> memref<128x128xf32, #tpu.memory_space<vmem>>
          %dma_wait3A_387 = arith.constant 0 : i32
          %dma_wait3A_388 = arith.constant 0 : i32
          %dma_wait3A_389 = tpu.memref_slice %arg6[%run_scoped3A_360, %dma_wait3A_387, %dma_wait3A_388] : memref<2x2x128xi32, #tpu.memory_space<vmem>> -> memref<1x2x128xi32, #tpu.memory_space<vmem>>
          %dma_wait3A_390 = tpu.memref_squeeze %dma_wait3A_389 : memref<1x2x128xi32, #tpu.memory_space<vmem>> -> memref<2x128xi32, #tpu.memory_space<vmem>>
          %dma_wait3A_391 = arith.constant 0 : i32
          %dma_wait3A_392 = tpu.memref_slice %dma_wait3A_390[%run_scoped3A_361, %dma_wait3A_391] : memref<2x128xi32, #tpu.memory_space<vmem>> -> memref<1x128xi32, #tpu.memory_space<vmem>>
          %dma_wait3A_393 = tpu.memref_squeeze %dma_wait3A_392 : memref<1x128xi32, #tpu.memory_space<vmem>> -> memref<128xi32, #tpu.memory_space<vmem>>
          %dma_wait3A_394 = arith.constant 0 : i32
          %dma_wait3A_395 = arith.constant 0 : i32
          %dma_wait3A_396 = tpu.memref_slice %arg8[%dma_wait3A_394, %dma_wait3A_395] : memref<10240x128xf32, #tpu.memory_space<vmem_shared>> -> memref<10240x128xf32, #tpu.memory_space<vmem_shared>>
          tpu.wait_indirect_dma semaphore(%run_scoped3A_368 : memref<!tpu.dma_semaphore, #tpu.memory_space<semaphore_mem>>) src(%dma_wait3A_386 : memref<128x128xf32, #tpu.memory_space<vmem>>) dst(%dma_wait3A_396 : memref<10240x128xf32, #tpu.memory_space<vmem_shared>>)
          tpu.yield
        }) : () -> ()
        %add3A_362 = arith.constant 2 : i32
        %add3A_363 = arith.addi %add3A_328, %add3A_362 : i32
        %lt3A_364 = arith.cmpi slt, %add3A_363, %add3A_3 : i32
        %convert_element_type3A_365 = arith.extui %lt3A_364 : i1 to i32
        %cond3A_366 = arith.constant 0 : i32
        %cond3A_367 = arith.cmpi ne, %convert_element_type3A_365, %cond3A_366 : i32
        scf.if %cond3A_367 {
          %add3A_368 = arith.constant 2 : i32
          %add3A_369 = arith.addi %add3A_328, %add3A_368 : i32
          %add3A_370 = arith.addi %add3A_7, %add3A_369 : i32
          %mul3A_371 = arith.constant 128 : i32
          %mul3A_372 = arith.muli %add3A_370, %mul3A_371 : i32
          %dma_start3A_373 = arith.constant 0 : i32
          %dma_start3A_374 = arith.constant 0 : i32
          %dma_start3A_375 = arith.constant 0 : i32
          %dma_start3A_376 = tpu.memref_slice %arg6[%dma_start3A_373, %dma_start3A_374, %dma_start3A_375] : memref<2x2x128xi32, #tpu.memory_space<vmem>> -> memref<1x2x128xi32, #tpu.memory_space<vmem>>
          %dma_start3A_377 = tpu.memref_squeeze %dma_start3A_376 : memref<1x2x128xi32, #tpu.memory_space<vmem>> -> memref<2x128xi32, #tpu.memory_space<vmem>>
          %dma_start3A_378 = arith.constant 0 : i32
          %dma_start3A_379 = tpu.memref_slice %arg3[%dma_start3A_378, %mul3A_372] : memref<2x160000xi32, #tpu.memory_space<hbm>> -> memref<2x128xi32, #tpu.memory_space<hbm>>
          %dma_start3A_380 = arith.constant 0 : i32
          %dma_start3A_381 = arith.constant 0 : i32
          %dma_start3A_382 = tpu.memref_slice %arg6[%dma_start3A_373, %dma_start3A_380, %dma_start3A_381] : memref<2x2x128xi32, #tpu.memory_space<vmem>> -> memref<1x2x128xi32, #tpu.memory_space<vmem>>
          %dma_start3A_383 = tpu.memref_squeeze %dma_start3A_382 : memref<1x2x128xi32, #tpu.memory_space<vmem>> -> memref<2x128xi32, #tpu.memory_space<vmem>>
          %dma_start3A_384 = arith.constant 0 : i32
          %dma_start3A_385 = tpu.memref_slice %arg3[%dma_start3A_384, %mul3A_372] : memref<2x160000xi32, #tpu.memory_space<hbm>> -> memref<2x128xi32, #tpu.memory_space<hbm>>
          tpu.enqueue_dma source(%dma_start3A_385 : memref<2x128xi32, #tpu.memory_space<hbm>>) target(%dma_start3A_383 : memref<2x128xi32, #tpu.memory_space<vmem>>) target_semaphore(%arg11 : memref<!tpu.dma_semaphore, #tpu.memory_space<semaphore_mem>>)
        } else {
        }
      } else {
      }
      %add3A_331 = arith.constant 1 : i32
      %add3A_332 = arith.addi %mul3A_326, %add3A_331 : i32
      %lt3A_333 = arith.cmpi slt, %add3A_332, %add3A_3 : i32
      %convert_element_type3A_334 = arith.extui %lt3A_333 : i1 to i32
      %cond3A_335 = arith.constant 0 : i32
      %cond3A_336 = arith.cmpi ne, %convert_element_type3A_334, %cond3A_335 : i32
      scf.if %cond3A_336 {
        %dma_wait3A_337 = arith.constant 1 : i32
        %dma_wait3A_338 = arith.constant 0 : i32
        %dma_wait3A_339 = arith.constant 1 : i32
        %dma_wait3A_340 = arith.constant 0 : i32
        %dma_wait3A_341 = arith.constant 0 : i32
        %dma_wait3A_342 = tpu.memref_slice %arg7[%dma_wait3A_339, %dma_wait3A_340, %dma_wait3A_341] : memref<2x128x128xf32, #tpu.memory_space<vmem>> -> memref<1x128x128xf32, #tpu.memory_space<vmem>>
        %dma_wait3A_343 = tpu.memref_squeeze %dma_wait3A_342 : memref<1x128x128xf32, #tpu.memory_space<vmem>> -> memref<128x128xf32, #tpu.memory_space<vmem>>
        %dma_wait3A_344 = arith.constant 0 : i32
        %dma_wait3A_345 = arith.constant 0 : i32
        %dma_wait3A_346 = tpu.memref_slice %arg6[%dma_wait3A_337, %dma_wait3A_344, %dma_wait3A_345] : memref<2x2x128xi32, #tpu.memory_space<vmem>> -> memref<1x2x128xi32, #tpu.memory_space<vmem>>
        %dma_wait3A_347 = tpu.memref_squeeze %dma_wait3A_346 : memref<1x2x128xi32, #tpu.memory_space<vmem>> -> memref<2x128xi32, #tpu.memory_space<vmem>>
        %dma_wait3A_348 = arith.constant 0 : i32
        %dma_wait3A_349 = tpu.memref_slice %dma_wait3A_347[%dma_wait3A_338, %dma_wait3A_348] : memref<2x128xi32, #tpu.memory_space<vmem>> -> memref<1x128xi32, #tpu.memory_space<vmem>>
        %dma_wait3A_350 = tpu.memref_squeeze %dma_wait3A_349 : memref<1x128xi32, #tpu.memory_space<vmem>> -> memref<128xi32, #tpu.memory_space<vmem>>
        %dma_wait3A_351 = arith.constant 0 : i32
        %dma_wait3A_352 = arith.constant 0 : i32
        %dma_wait3A_353 = tpu.memref_slice %arg2[%dma_wait3A_351, %dma_wait3A_352] : memref<20000x128xf32, #tpu.memory_space<hbm>> -> memref<20000x128xf32, #tpu.memory_space<hbm>>
        tpu.wait_indirect_dma semaphore(%arg10 : memref<!tpu.dma_semaphore, #tpu.memory_space<semaphore_mem>>) src(%dma_wait3A_353 : memref<20000x128xf32, #tpu.memory_space<hbm>>) dst(%dma_wait3A_343 : memref<128x128xf32, #tpu.memory_space<vmem>>)
        %add3A_354 = arith.constant 1 : i32
        %add3A_355 = arith.addi %add3A_332, %add3A_354 : i32
        %lt3A_356 = arith.cmpi slt, %add3A_355, %add3A_3 : i32
        %convert_element_type3A_357 = arith.extui %lt3A_356 : i1 to i32
        %cond3A_358 = arith.constant 0 : i32
        %cond3A_359 = arith.cmpi ne, %convert_element_type3A_357, %cond3A_358 : i32
        scf.if %cond3A_359 {
          %add3A_368 = arith.constant 1 : i32
          %add3A_369 = arith.addi %add3A_332, %add3A_368 : i32
          %add3A_370 = arith.addi %add3A_7, %add3A_369 : i32
          %mul3A_371 = arith.constant 128 : i32
          %mul3A_372 = arith.muli %add3A_370, %mul3A_371 : i32
          %dma_wait3A_373 = arith.constant 0 : i32
          %dma_wait3A_374 = arith.constant 0 : i32
          %dma_wait3A_375 = arith.constant 0 : i32
          %dma_wait3A_376 = tpu.memref_slice %arg6[%dma_wait3A_373, %dma_wait3A_374, %dma_wait3A_375] : memref<2x2x128xi32, #tpu.memory_space<vmem>> -> memref<1x2x128xi32, #tpu.memory_space<vmem>>
          %dma_wait3A_377 = tpu.memref_squeeze %dma_wait3A_376 : memref<1x2x128xi32, #tpu.memory_space<vmem>> -> memref<2x128xi32, #tpu.memory_space<vmem>>
          %dma_wait3A_378 = arith.constant 0 : i32
          %dma_wait3A_379 = tpu.memref_slice %arg3[%dma_wait3A_378, %mul3A_372] : memref<2x160000xi32, #tpu.memory_space<hbm>> -> memref<2x128xi32, #tpu.memory_space<hbm>>
          %dma_wait3A_380 = arith.constant 0 : i32
          %dma_wait3A_381 = arith.constant 0 : i32
          %dma_wait3A_382 = tpu.memref_slice %arg6[%dma_wait3A_373, %dma_wait3A_380, %dma_wait3A_381] : memref<2x2x128xi32, #tpu.memory_space<vmem>> -> memref<1x2x128xi32, #tpu.memory_space<vmem>>
          %dma_wait3A_383 = tpu.memref_squeeze %dma_wait3A_382 : memref<1x2x128xi32, #tpu.memory_space<vmem>> -> memref<2x128xi32, #tpu.memory_space<vmem>>
          %dma_wait3A_384 = arith.constant 0 : i32
          %dma_wait3A_385 = tpu.memref_slice %arg3[%dma_wait3A_384, %mul3A_372] : memref<2x160000xi32, #tpu.memory_space<hbm>> -> memref<2x128xi32, #tpu.memory_space<hbm>>
          tpu.wait_dma2 semaphore(%arg11 : memref<!tpu.dma_semaphore, #tpu.memory_space<semaphore_mem>>) src(%dma_wait3A_385 : memref<2x128xi32, #tpu.memory_space<hbm>>) dst(%dma_wait3A_383 : memref<2x128xi32, #tpu.memory_space<vmem>>)
          %get3A_386 = arith.constant 0 : i32
          %get3A_387 = arith.constant 0 : i32
          %get3A_388 = arith.constant 0 : i32
          %get3A_389 = arith.constant 0 : i32
          %get3A_390 = tpu.memref_slice %arg6[%get3A_386, %get3A_388, %get3A_389] : memref<2x2x128xi32, #tpu.memory_space<vmem>> -> memref<1x2x128xi32, #tpu.memory_space<vmem>>
          %get3A_391 = tpu.memref_squeeze %get3A_390 : memref<1x2x128xi32, #tpu.memory_space<vmem>> -> memref<2x128xi32, #tpu.memory_space<vmem>>
          %get3A_392 = arith.constant 0 : i32
          %get3A_393 = tpu.memref_slice %get3A_391[%get3A_387, %get3A_392] : memref<2x128xi32, #tpu.memory_space<vmem>> -> memref<1x128xi32, #tpu.memory_space<vmem>>
          %get3A_394 = tpu.memref_squeeze %get3A_393 : memref<1x128xi32, #tpu.memory_space<vmem>> -> memref<128xi32, #tpu.memory_space<vmem>>
          %get3A_395 = arith.constant 0 : index
          %get3A_396 = tpu.vector_load %get3A_394[%get3A_395] {strides = array<i32>} : memref<128xi32, #tpu.memory_space<vmem>>, vector<16xi32>,
          %get3A_397 = vector.shape_cast %get3A_396 : vector<16xi32> to vector<16xi32>
          %mul3A_398 = arith.constant 2 : i32
          %mul3A_399 = vector.broadcast %mul3A_398 : i32 to vector<16xi32>
          %mul3A_400 = arith.muli %get3A_397, %mul3A_399 : vector<16xi32>
          %add3A_401 = vector.broadcast %arg0 : i32 to vector<16xi32>
          %add3A_402 = arith.addi %mul3A_400, %add3A_401 : vector<16xi32>
          %swap3A_403 = arith.constant 0 : i32
          %swap3A_404 = arith.constant 0 : i32
          %swap3A_405 = arith.constant 0 : i32
          %swap3A_406 = arith.constant 0 : i32
          %swap3A_407 = tpu.memref_slice %arg6[%swap3A_403, %swap3A_405, %swap3A_406] : memref<2x2x128xi32, #tpu.memory_space<vmem>> -> memref<1x2x128xi32, #tpu.memory_space<vmem>>
          %swap3A_408 = tpu.memref_squeeze %swap3A_407 : memref<1x2x128xi32, #tpu.memory_space<vmem>> -> memref<2x128xi32, #tpu.memory_space<vmem>>
          %swap3A_409 = arith.constant 0 : i32
          %swap3A_410 = tpu.memref_slice %swap3A_408[%swap3A_404, %swap3A_409] : memref<2x128xi32, #tpu.memory_space<vmem>> -> memref<1x128xi32, #tpu.memory_space<vmem>>
          %swap3A_411 = tpu.memref_squeeze %swap3A_410 : memref<1x128xi32, #tpu.memory_space<vmem>> -> memref<128xi32, #tpu.memory_space<vmem>>
          %swap3A_412 = arith.constant 0 : index
          %swap3A_413 = tpu.vector_load %swap3A_411[%swap3A_412] {strides = array<i32>} : memref<128xi32, #tpu.memory_space<vmem>>, vector<16xi32>,
          %swap3A_414 = vector.shape_cast %swap3A_413 : vector<16xi32> to vector<16xi32>
          %swap3A_415 = vector.shape_cast %add3A_402 : vector<16xi32> to vector<16xi32>
          tpu.vector_store %swap3A_411[%swap3A_412], %swap3A_415 {strides = array<i32>} : memref<128xi32, #tpu.memory_space<vmem>>, vector<16xi32>,
          %get3A_416 = arith.constant 0 : i32
          %get3A_417 = arith.constant 0 : i32
          %get3A_418 = arith.constant 0 : i32
          %get3A_419 = arith.constant 0 : i32
          %get3A_420 = tpu.memref_slice %arg6[%get3A_416, %get3A_418, %get3A_419] : memref<2x2x128xi32, #tpu.memory_space<vmem>> -> memref<1x2x128xi32, #tpu.memory_space<vmem>>
          %get3A_421 = tpu.memref_squeeze %get3A_420 : memref<1x2x128xi32, #tpu.memory_space<vmem>> -> memref<2x128xi32, #tpu.memory_space<vmem>>
          %get3A_422 = arith.constant 0 : i32
          %get3A_423 = tpu.memref_slice %get3A_421[%get3A_417, %get3A_422] : memref<2x128xi32, #tpu.memory_space<vmem>> -> memref<1x128xi32, #tpu.memory_space<vmem>>
          %get3A_424 = tpu.memref_squeeze %get3A_423 : memref<1x128xi32, #tpu.memory_space<vmem>> -> memref<128xi32, #tpu.memory_space<vmem>>
          %get3A_425 = arith.constant 16 : index
          %get3A_426 = tpu.vector_load %get3A_424[%get3A_425] {strides = array<i32>} : memref<128xi32, #tpu.memory_space<vmem>>, vector<16xi32>,
          %get3A_427 = vector.shape_cast %get3A_426 : vector<16xi32> to vector<16xi32>
          %mul3A_428 = arith.constant 2 : i32
          %mul3A_429 = vector.broadcast %mul3A_428 : i32 to vector<16xi32>
          %mul3A_430 = arith.muli %get3A_427, %mul3A_429 : vector<16xi32>
          %add3A_431 = vector.broadcast %arg0 : i32 to vector<16xi32>
          %add3A_432 = arith.addi %mul3A_430, %add3A_431 : vector<16xi32>
          %swap3A_433 = arith.constant 0 : i32
          %swap3A_434 = arith.constant 0 : i32
          %swap3A_435 = arith.constant 0 : i32
          %swap3A_436 = arith.constant 0 : i32
          %swap3A_437 = tpu.memref_slice %arg6[%swap3A_433, %swap3A_435, %swap3A_436] : memref<2x2x128xi32, #tpu.memory_space<vmem>> -> memref<1x2x128xi32, #tpu.memory_space<vmem>>
          %swap3A_438 = tpu.memref_squeeze %swap3A_437 : memref<1x2x128xi32, #tpu.memory_space<vmem>> -> memref<2x128xi32, #tpu.memory_space<vmem>>
          %swap3A_439 = arith.constant 0 : i32
          %swap3A_440 = tpu.memref_slice %swap3A_438[%swap3A_434, %swap3A_439] : memref<2x128xi32, #tpu.memory_space<vmem>> -> memref<1x128xi32, #tpu.memory_space<vmem>>
          %swap3A_441 = tpu.memref_squeeze %swap3A_440 : memref<1x128xi32, #tpu.memory_space<vmem>> -> memref<128xi32, #tpu.memory_space<vmem>>
          %swap3A_442 = arith.constant 16 : index
          %swap3A_443 = tpu.vector_load %swap3A_441[%swap3A_442] {strides = array<i32>} : memref<128xi32, #tpu.memory_space<vmem>>, vector<16xi32>,
          %swap3A_444 = vector.shape_cast %swap3A_443 : vector<16xi32> to vector<16xi32>
          %swap3A_445 = vector.shape_cast %add3A_432 : vector<16xi32> to vector<16xi32>
          tpu.vector_store %swap3A_441[%swap3A_442], %swap3A_445 {strides = array<i32>} : memref<128xi32, #tpu.memory_space<vmem>>, vector<16xi32>,
          %get3A_446 = arith.constant 0 : i32
          %get3A_447 = arith.constant 0 : i32
          %get3A_448 = arith.constant 0 : i32
          %get3A_449 = arith.constant 0 : i32
          %get3A_450 = tpu.memref_slice %arg6[%get3A_446, %get3A_448, %get3A_449] : memref<2x2x128xi32, #tpu.memory_space<vmem>> -> memref<1x2x128xi32, #tpu.memory_space<vmem>>
          %get3A_451 = tpu.memref_squeeze %get3A_450 : memref<1x2x128xi32, #tpu.memory_space<vmem>> -> memref<2x128xi32, #tpu.memory_space<vmem>>
          %get3A_452 = arith.constant 0 : i32
          %get3A_453 = tpu.memref_slice %get3A_451[%get3A_447, %get3A_452] : memref<2x128xi32, #tpu.memory_space<vmem>> -> memref<1x128xi32, #tpu.memory_space<vmem>>
          %get3A_454 = tpu.memref_squeeze %get3A_453 : memref<1x128xi32, #tpu.memory_space<vmem>> -> memref<128xi32, #tpu.memory_space<vmem>>
          %get3A_455 = arith.constant 32 : index
          %get3A_456 = tpu.vector_load %get3A_454[%get3A_455] {strides = array<i32>} : memref<128xi32, #tpu.memory_space<vmem>>, vector<16xi32>,
          %get3A_457 = vector.shape_cast %get3A_456 : vector<16xi32> to vector<16xi32>
          %mul3A_458 = arith.constant 2 : i32
          %mul3A_459 = vector.broadcast %mul3A_458 : i32 to vector<16xi32>
          %mul3A_460 = arith.muli %get3A_457, %mul3A_459 : vector<16xi32>
          %add3A_461 = vector.broadcast %arg0 : i32 to vector<16xi32>
          %add3A_462 = arith.addi %mul3A_460, %add3A_461 : vector<16xi32>
          %swap3A_463 = arith.constant 0 : i32
          %swap3A_464 = arith.constant 0 : i32
          %swap3A_465 = arith.constant 0 : i32
          %swap3A_466 = arith.constant 0 : i32
          %swap3A_467 = tpu.memref_slice %arg6[%swap3A_463, %swap3A_465, %swap3A_466] : memref<2x2x128xi32, #tpu.memory_space<vmem>> -> memref<1x2x128xi32, #tpu.memory_space<vmem>>
          %swap3A_468 = tpu.memref_squeeze %swap3A_467 : memref<1x2x128xi32, #tpu.memory_space<vmem>> -> memref<2x128xi32, #tpu.memory_space<vmem>>
          %swap3A_469 = arith.constant 0 : i32
          %swap3A_470 = tpu.memref_slice %swap3A_468[%swap3A_464, %swap3A_469] : memref<2x128xi32, #tpu.memory_space<vmem>> -> memref<1x128xi32, #tpu.memory_space<vmem>>
          %swap3A_471 = tpu.memref_squeeze %swap3A_470 : memref<1x128xi32, #tpu.memory_space<vmem>> -> memref<128xi32, #tpu.memory_space<vmem>>
          %swap3A_472 = arith.constant 32 : index
          %swap3A_473 = tpu.vector_load %swap3A_471[%swap3A_472] {strides = array<i32>} : memref<128xi32, #tpu.memory_space<vmem>>, vector<16xi32>,
          %swap3A_474 = vector.shape_cast %swap3A_473 : vector<16xi32> to vector<16xi32>
          %swap3A_475 = vector.shape_cast %add3A_462 : vector<16xi32> to vector<16xi32>
          tpu.vector_store %swap3A_471[%swap3A_472], %swap3A_475 {strides = array<i32>} : memref<128xi32, #tpu.memory_space<vmem>>, vector<16xi32>,
          %get3A_476 = arith.constant 0 : i32
          %get3A_477 = arith.constant 0 : i32
          %get3A_478 = arith.constant 0 : i32
          %get3A_479 = arith.constant 0 : i32
          %get3A_480 = tpu.memref_slice %arg6[%get3A_476, %get3A_478, %get3A_479] : memref<2x2x128xi32, #tpu.memory_space<vmem>> -> memref<1x2x128xi32, #tpu.memory_space<vmem>>
          %get3A_481 = tpu.memref_squeeze %get3A_480 : memref<1x2x128xi32, #tpu.memory_space<vmem>> -> memref<2x128xi32, #tpu.memory_space<vmem>>
          %get3A_482 = arith.constant 0 : i32
          %get3A_483 = tpu.memref_slice %get3A_481[%get3A_477, %get3A_482] : memref<2x128xi32, #tpu.memory_space<vmem>> -> memref<1x128xi32, #tpu.memory_space<vmem>>
          %get3A_484 = tpu.memref_squeeze %get3A_483 : memref<1x128xi32, #tpu.memory_space<vmem>> -> memref<128xi32, #tpu.memory_space<vmem>>
          %get3A_485 = arith.constant 48 : index
          %get3A_486 = tpu.vector_load %get3A_484[%get3A_485] {strides = array<i32>} : memref<128xi32, #tpu.memory_space<vmem>>, vector<16xi32>,
          %get3A_487 = vector.shape_cast %get3A_486 : vector<16xi32> to vector<16xi32>
          %mul3A_488 = arith.constant 2 : i32
          %mul3A_489 = vector.broadcast %mul3A_488 : i32 to vector<16xi32>
          %mul3A_490 = arith.muli %get3A_487, %mul3A_489 : vector<16xi32>
          %add3A_491 = vector.broadcast %arg0 : i32 to vector<16xi32>
          %add3A_492 = arith.addi %mul3A_490, %add3A_491 : vector<16xi32>
          %swap3A_493 = arith.constant 0 : i32
          %swap3A_494 = arith.constant 0 : i32
          %swap3A_495 = arith.constant 0 : i32
          %swap3A_496 = arith.constant 0 : i32
          %swap3A_497 = tpu.memref_slice %arg6[%swap3A_493, %swap3A_495, %swap3A_496] : memref<2x2x128xi32, #tpu.memory_space<vmem>> -> memref<1x2x128xi32, #tpu.memory_space<vmem>>
          %swap3A_498 = tpu.memref_squeeze %swap3A_497 : memref<1x2x128xi32, #tpu.memory_space<vmem>> -> memref<2x128xi32, #tpu.memory_space<vmem>>
          %swap3A_499 = arith.constant 0 : i32
          %swap3A_500 = tpu.memref_slice %swap3A_498[%swap3A_494, %swap3A_499] : memref<2x128xi32, #tpu.memory_space<vmem>> -> memref<1x128xi32, #tpu.memory_space<vmem>>
          %swap3A_501 = tpu.memref_squeeze %swap3A_500 : memref<1x128xi32, #tpu.memory_space<vmem>> -> memref<128xi32, #tpu.memory_space<vmem>>
          %swap3A_502 = arith.constant 48 : index
          %swap3A_503 = tpu.vector_load %swap3A_501[%swap3A_502] {strides = array<i32>} : memref<128xi32, #tpu.memory_space<vmem>>, vector<16xi32>,
          %swap3A_504 = vector.shape_cast %swap3A_503 : vector<16xi32> to vector<16xi32>
          %swap3A_505 = vector.shape_cast %add3A_492 : vector<16xi32> to vector<16xi32>
          tpu.vector_store %swap3A_501[%swap3A_502], %swap3A_505 {strides = array<i32>} : memref<128xi32, #tpu.memory_space<vmem>>, vector<16xi32>,
          %get3A_506 = arith.constant 0 : i32
          %get3A_507 = arith.constant 0 : i32
          %get3A_508 = arith.constant 0 : i32
          %get3A_509 = arith.constant 0 : i32
          %get3A_510 = tpu.memref_slice %arg6[%get3A_506, %get3A_508, %get3A_509] : memref<2x2x128xi32, #tpu.memory_space<vmem>> -> memref<1x2x128xi32, #tpu.memory_space<vmem>>
          %get3A_511 = tpu.memref_squeeze %get3A_510 : memref<1x2x128xi32, #tpu.memory_space<vmem>> -> memref<2x128xi32, #tpu.memory_space<vmem>>
          %get3A_512 = arith.constant 0 : i32
          %get3A_513 = tpu.memref_slice %get3A_511[%get3A_507, %get3A_512] : memref<2x128xi32, #tpu.memory_space<vmem>> -> memref<1x128xi32, #tpu.memory_space<vmem>>
          %get3A_514 = tpu.memref_squeeze %get3A_513 : memref<1x128xi32, #tpu.memory_space<vmem>> -> memref<128xi32, #tpu.memory_space<vmem>>
          %get3A_515 = arith.constant 64 : index
          %get3A_516 = tpu.vector_load %get3A_514[%get3A_515] {strides = array<i32>} : memref<128xi32, #tpu.memory_space<vmem>>, vector<16xi32>,
          %get3A_517 = vector.shape_cast %get3A_516 : vector<16xi32> to vector<16xi32>
          %mul3A_518 = arith.constant 2 : i32
          %mul3A_519 = vector.broadcast %mul3A_518 : i32 to vector<16xi32>
          %mul3A_520 = arith.muli %get3A_517, %mul3A_519 : vector<16xi32>
          %add3A_521 = vector.broadcast %arg0 : i32 to vector<16xi32>
          %add3A_522 = arith.addi %mul3A_520, %add3A_521 : vector<16xi32>
          %swap3A_523 = arith.constant 0 : i32
          %swap3A_524 = arith.constant 0 : i32
          %swap3A_525 = arith.constant 0 : i32
          %swap3A_526 = arith.constant 0 : i32
          %swap3A_527 = tpu.memref_slice %arg6[%swap3A_523, %swap3A_525, %swap3A_526] : memref<2x2x128xi32, #tpu.memory_space<vmem>> -> memref<1x2x128xi32, #tpu.memory_space<vmem>>
          %swap3A_528 = tpu.memref_squeeze %swap3A_527 : memref<1x2x128xi32, #tpu.memory_space<vmem>> -> memref<2x128xi32, #tpu.memory_space<vmem>>
          %swap3A_529 = arith.constant 0 : i32
          %swap3A_530 = tpu.memref_slice %swap3A_528[%swap3A_524, %swap3A_529] : memref<2x128xi32, #tpu.memory_space<vmem>> -> memref<1x128xi32, #tpu.memory_space<vmem>>
          %swap3A_531 = tpu.memref_squeeze %swap3A_530 : memref<1x128xi32, #tpu.memory_space<vmem>> -> memref<128xi32, #tpu.memory_space<vmem>>
          %swap3A_532 = arith.constant 64 : index
          %swap3A_533 = tpu.vector_load %swap3A_531[%swap3A_532] {strides = array<i32>} : memref<128xi32, #tpu.memory_space<vmem>>, vector<16xi32>,
          %swap3A_534 = vector.shape_cast %swap3A_533 : vector<16xi32> to vector<16xi32>
          %swap3A_535 = vector.shape_cast %add3A_522 : vector<16xi32> to vector<16xi32>
          tpu.vector_store %swap3A_531[%swap3A_532], %swap3A_535 {strides = array<i32>} : memref<128xi32, #tpu.memory_space<vmem>>, vector<16xi32>,
          %get3A_536 = arith.constant 0 : i32
          %get3A_537 = arith.constant 0 : i32
          %get3A_538 = arith.constant 0 : i32
          %get3A_539 = arith.constant 0 : i32
          %get3A_540 = tpu.memref_slice %arg6[%get3A_536, %get3A_538, %get3A_539] : memref<2x2x128xi32, #tpu.memory_space<vmem>> -> memref<1x2x128xi32, #tpu.memory_space<vmem>>
          %get3A_541 = tpu.memref_squeeze %get3A_540 : memref<1x2x128xi32, #tpu.memory_space<vmem>> -> memref<2x128xi32, #tpu.memory_space<vmem>>
          %get3A_542 = arith.constant 0 : i32
          %get3A_543 = tpu.memref_slice %get3A_541[%get3A_537, %get3A_542] : memref<2x128xi32, #tpu.memory_space<vmem>> -> memref<1x128xi32, #tpu.memory_space<vmem>>
          %get3A_544 = tpu.memref_squeeze %get3A_543 : memref<1x128xi32, #tpu.memory_space<vmem>> -> memref<128xi32, #tpu.memory_space<vmem>>
          %get3A_545 = arith.constant 80 : index
          %get3A_546 = tpu.vector_load %get3A_544[%get3A_545] {strides = array<i32>} : memref<128xi32, #tpu.memory_space<vmem>>, vector<16xi32>,
          %get3A_547 = vector.shape_cast %get3A_546 : vector<16xi32> to vector<16xi32>
          %mul3A_548 = arith.constant 2 : i32
          %mul3A_549 = vector.broadcast %mul3A_548 : i32 to vector<16xi32>
          %mul3A_550 = arith.muli %get3A_547, %mul3A_549 : vector<16xi32>
          %add3A_551 = vector.broadcast %arg0 : i32 to vector<16xi32>
          %add3A_552 = arith.addi %mul3A_550, %add3A_551 : vector<16xi32>
          %swap3A_553 = arith.constant 0 : i32
          %swap3A_554 = arith.constant 0 : i32
          %swap3A_555 = arith.constant 0 : i32
          %swap3A_556 = arith.constant 0 : i32
          %swap3A_557 = tpu.memref_slice %arg6[%swap3A_553, %swap3A_555, %swap3A_556] : memref<2x2x128xi32, #tpu.memory_space<vmem>> -> memref<1x2x128xi32, #tpu.memory_space<vmem>>
          %swap3A_558 = tpu.memref_squeeze %swap3A_557 : memref<1x2x128xi32, #tpu.memory_space<vmem>> -> memref<2x128xi32, #tpu.memory_space<vmem>>
          %swap3A_559 = arith.constant 0 : i32
          %swap3A_560 = tpu.memref_slice %swap3A_558[%swap3A_554, %swap3A_559] : memref<2x128xi32, #tpu.memory_space<vmem>> -> memref<1x128xi32, #tpu.memory_space<vmem>>
          %swap3A_561 = tpu.memref_squeeze %swap3A_560 : memref<1x128xi32, #tpu.memory_space<vmem>> -> memref<128xi32, #tpu.memory_space<vmem>>
          %swap3A_562 = arith.constant 80 : index
          %swap3A_563 = tpu.vector_load %swap3A_561[%swap3A_562] {strides = array<i32>} : memref<128xi32, #tpu.memory_space<vmem>>, vector<16xi32>,
          %swap3A_564 = vector.shape_cast %swap3A_563 : vector<16xi32> to vector<16xi32>
          %swap3A_565 = vector.shape_cast %add3A_552 : vector<16xi32> to vector<16xi32>
          tpu.vector_store %swap3A_561[%swap3A_562], %swap3A_565 {strides = array<i32>} : memref<128xi32, #tpu.memory_space<vmem>>, vector<16xi32>,
          %get3A_566 = arith.constant 0 : i32
          %get3A_567 = arith.constant 0 : i32
          %get3A_568 = arith.constant 0 : i32
          %get3A_569 = arith.constant 0 : i32
          %get3A_570 = tpu.memref_slice %arg6[%get3A_566, %get3A_568, %get3A_569] : memref<2x2x128xi32, #tpu.memory_space<vmem>> -> memref<1x2x128xi32, #tpu.memory_space<vmem>>
          %get3A_571 = tpu.memref_squeeze %get3A_570 : memref<1x2x128xi32, #tpu.memory_space<vmem>> -> memref<2x128xi32, #tpu.memory_space<vmem>>
          %get3A_572 = arith.constant 0 : i32
          %get3A_573 = tpu.memref_slice %get3A_571[%get3A_567, %get3A_572] : memref<2x128xi32, #tpu.memory_space<vmem>> -> memref<1x128xi32, #tpu.memory_space<vmem>>
          %get3A_574 = tpu.memref_squeeze %get3A_573 : memref<1x128xi32, #tpu.memory_space<vmem>> -> memref<128xi32, #tpu.memory_space<vmem>>
          %get3A_575 = arith.constant 96 : index
          %get3A_576 = tpu.vector_load %get3A_574[%get3A_575] {strides = array<i32>} : memref<128xi32, #tpu.memory_space<vmem>>, vector<16xi32>,
          %get3A_577 = vector.shape_cast %get3A_576 : vector<16xi32> to vector<16xi32>
          %mul3A_578 = arith.constant 2 : i32
          %mul3A_579 = vector.broadcast %mul3A_578 : i32 to vector<16xi32>
          %mul3A_580 = arith.muli %get3A_577, %mul3A_579 : vector<16xi32>
          %add3A_581 = vector.broadcast %arg0 : i32 to vector<16xi32>
          %add3A_582 = arith.addi %mul3A_580, %add3A_581 : vector<16xi32>
          %swap3A_583 = arith.constant 0 : i32
          %swap3A_584 = arith.constant 0 : i32
          %swap3A_585 = arith.constant 0 : i32
          %swap3A_586 = arith.constant 0 : i32
          %swap3A_587 = tpu.memref_slice %arg6[%swap3A_583, %swap3A_585, %swap3A_586] : memref<2x2x128xi32, #tpu.memory_space<vmem>> -> memref<1x2x128xi32, #tpu.memory_space<vmem>>
          %swap3A_588 = tpu.memref_squeeze %swap3A_587 : memref<1x2x128xi32, #tpu.memory_space<vmem>> -> memref<2x128xi32, #tpu.memory_space<vmem>>
          %swap3A_589 = arith.constant 0 : i32
          %swap3A_590 = tpu.memref_slice %swap3A_588[%swap3A_584, %swap3A_589] : memref<2x128xi32, #tpu.memory_space<vmem>> -> memref<1x128xi32, #tpu.memory_space<vmem>>
          %swap3A_591 = tpu.memref_squeeze %swap3A_590 : memref<1x128xi32, #tpu.memory_space<vmem>> -> memref<128xi32, #tpu.memory_space<vmem>>
          %swap3A_592 = arith.constant 96 : index
          %swap3A_593 = tpu.vector_load %swap3A_591[%swap3A_592] {strides = array<i32>} : memref<128xi32, #tpu.memory_space<vmem>>, vector<16xi32>,
          %swap3A_594 = vector.shape_cast %swap3A_593 : vector<16xi32> to vector<16xi32>
          %swap3A_595 = vector.shape_cast %add3A_582 : vector<16xi32> to vector<16xi32>
          tpu.vector_store %swap3A_591[%swap3A_592], %swap3A_595 {strides = array<i32>} : memref<128xi32, #tpu.memory_space<vmem>>, vector<16xi32>,
          %get3A_596 = arith.constant 0 : i32
          %get3A_597 = arith.constant 0 : i32
          %get3A_598 = arith.constant 0 : i32
          %get3A_599 = arith.constant 0 : i32
          %get3A_600 = tpu.memref_slice %arg6[%get3A_596, %get3A_598, %get3A_599] : memref<2x2x128xi32, #tpu.memory_space<vmem>> -> memref<1x2x128xi32, #tpu.memory_space<vmem>>
          %get3A_601 = tpu.memref_squeeze %get3A_600 : memref<1x2x128xi32, #tpu.memory_space<vmem>> -> memref<2x128xi32, #tpu.memory_space<vmem>>
          %get3A_602 = arith.constant 0 : i32
          %get3A_603 = tpu.memref_slice %get3A_601[%get3A_597, %get3A_602] : memref<2x128xi32, #tpu.memory_space<vmem>> -> memref<1x128xi32, #tpu.memory_space<vmem>>
          %get3A_604 = tpu.memref_squeeze %get3A_603 : memref<1x128xi32, #tpu.memory_space<vmem>> -> memref<128xi32, #tpu.memory_space<vmem>>
          %get3A_605 = arith.constant 112 : index
          %get3A_606 = tpu.vector_load %get3A_604[%get3A_605] {strides = array<i32>} : memref<128xi32, #tpu.memory_space<vmem>>, vector<16xi32>,
          %get3A_607 = vector.shape_cast %get3A_606 : vector<16xi32> to vector<16xi32>
          %mul3A_608 = arith.constant 2 : i32
          %mul3A_609 = vector.broadcast %mul3A_608 : i32 to vector<16xi32>
          %mul3A_610 = arith.muli %get3A_607, %mul3A_609 : vector<16xi32>
          %add3A_611 = vector.broadcast %arg0 : i32 to vector<16xi32>
          %add3A_612 = arith.addi %mul3A_610, %add3A_611 : vector<16xi32>
          %swap3A_613 = arith.constant 0 : i32
          %swap3A_614 = arith.constant 0 : i32
          %swap3A_615 = arith.constant 0 : i32
          %swap3A_616 = arith.constant 0 : i32
          %swap3A_617 = tpu.memref_slice %arg6[%swap3A_613, %swap3A_615, %swap3A_616] : memref<2x2x128xi32, #tpu.memory_space<vmem>> -> memref<1x2x128xi32, #tpu.memory_space<vmem>>
          %swap3A_618 = tpu.memref_squeeze %swap3A_617 : memref<1x2x128xi32, #tpu.memory_space<vmem>> -> memref<2x128xi32, #tpu.memory_space<vmem>>
          %swap3A_619 = arith.constant 0 : i32
          %swap3A_620 = tpu.memref_slice %swap3A_618[%swap3A_614, %swap3A_619] : memref<2x128xi32, #tpu.memory_space<vmem>> -> memref<1x128xi32, #tpu.memory_space<vmem>>
          %swap3A_621 = tpu.memref_squeeze %swap3A_620 : memref<1x128xi32, #tpu.memory_space<vmem>> -> memref<128xi32, #tpu.memory_space<vmem>>
          %swap3A_622 = arith.constant 112 : index
          %swap3A_623 = tpu.vector_load %swap3A_621[%swap3A_622] {strides = array<i32>} : memref<128xi32, #tpu.memory_space<vmem>>, vector<16xi32>,
          %swap3A_624 = vector.shape_cast %swap3A_623 : vector<16xi32> to vector<16xi32>
          %swap3A_625 = vector.shape_cast %add3A_612 : vector<16xi32> to vector<16xi32>
          tpu.vector_store %swap3A_621[%swap3A_622], %swap3A_625 {strides = array<i32>} : memref<128xi32, #tpu.memory_space<vmem>>, vector<16xi32>,
          %add3A_626 = arith.constant 1 : i32
          %add3A_627 = arith.addi %add3A_332, %add3A_626 : i32
          %dma_start3A_628 = arith.constant 0 : i32
          %dma_start3A_629 = arith.constant 0 : i32
          %dma_start3A_630 = arith.constant 0 : i32
          %dma_start3A_631 = arith.constant 0 : i32
          %dma_start3A_632 = arith.constant 0 : i32
          %dma_start3A_633 = tpu.memref_slice %arg7[%dma_start3A_630, %dma_start3A_631, %dma_start3A_632] : memref<2x128x128xf32, #tpu.memory_space<vmem>> -> memref<1x128x128xf32, #tpu.memory_space<vmem>>
          %dma_start3A_634 = tpu.memref_squeeze %dma_start3A_633 : memref<1x128x128xf32, #tpu.memory_space<vmem>> -> memref<128x128xf32, #tpu.memory_space<vmem>>
          %dma_start3A_635 = arith.constant 0 : i32
          %dma_start3A_636 = arith.constant 0 : i32
          %dma_start3A_637 = tpu.memref_slice %arg6[%dma_start3A_628, %dma_start3A_635, %dma_start3A_636] : memref<2x2x128xi32, #tpu.memory_space<vmem>> -> memref<1x2x128xi32, #tpu.memory_space<vmem>>
          %dma_start3A_638 = tpu.memref_squeeze %dma_start3A_637 : memref<1x2x128xi32, #tpu.memory_space<vmem>> -> memref<2x128xi32, #tpu.memory_space<vmem>>
          %dma_start3A_639 = arith.constant 0 : i32
          %dma_start3A_640 = tpu.memref_slice %dma_start3A_638[%dma_start3A_629, %dma_start3A_639] : memref<2x128xi32, #tpu.memory_space<vmem>> -> memref<1x128xi32, #tpu.memory_space<vmem>>
          %dma_start3A_641 = tpu.memref_squeeze %dma_start3A_640 : memref<1x128xi32, #tpu.memory_space<vmem>> -> memref<128xi32, #tpu.memory_space<vmem>>
          %dma_start3A_642 = arith.constant 0 : i32
          %dma_start3A_643 = arith.constant 0 : i32
          %dma_start3A_644 = tpu.memref_slice %arg2[%dma_start3A_642, %dma_start3A_643] : memref<20000x128xf32, #tpu.memory_space<hbm>> -> memref<20000x128xf32, #tpu.memory_space<hbm>>
          tpu.enqueue_indirect_dma source(%dma_start3A_644 : memref<20000x128xf32, #tpu.memory_space<hbm>>) target(%dma_start3A_634 : memref<128x128xf32, #tpu.memory_space<vmem>>) offsets(%dma_start3A_641 : memref<128xi32, #tpu.memory_space<vmem>>) semaphore(%arg9 : memref<!tpu.dma_semaphore, #tpu.memory_space<semaphore_mem>>)
        } else {
        }
        %run_scoped3A = arith.constant 1 : i32
        %run_scoped3A_360 = arith.constant 1 : i32
        %run_scoped3A_361 = arith.constant 1 : i32
        "tpu.region"() ({
          %run_scoped3A_368 = tpu.sem_alloc : memref<!tpu.dma_semaphore, #tpu.memory_space<semaphore_mem>>
          %dma_start3A_369 = arith.constant 0 : i32
          %dma_start3A_370 = arith.constant 0 : i32
          %dma_start3A_371 = tpu.memref_slice %arg7[%run_scoped3A, %dma_start3A_369, %dma_start3A_370] : memref<2x128x128xf32, #tpu.memory_space<vmem>> -> memref<1x128x128xf32, #tpu.memory_space<vmem>>
          %dma_start3A_372 = tpu.memref_squeeze %dma_start3A_371 : memref<1x128x128xf32, #tpu.memory_space<vmem>> -> memref<128x128xf32, #tpu.memory_space<vmem>>
          %dma_start3A_373 = arith.constant 0 : i32
          %dma_start3A_374 = arith.constant 0 : i32
          %dma_start3A_375 = tpu.memref_slice %arg6[%run_scoped3A_360, %dma_start3A_373, %dma_start3A_374] : memref<2x2x128xi32, #tpu.memory_space<vmem>> -> memref<1x2x128xi32, #tpu.memory_space<vmem>>
          %dma_start3A_376 = tpu.memref_squeeze %dma_start3A_375 : memref<1x2x128xi32, #tpu.memory_space<vmem>> -> memref<2x128xi32, #tpu.memory_space<vmem>>
          %dma_start3A_377 = arith.constant 0 : i32
          %dma_start3A_378 = tpu.memref_slice %dma_start3A_376[%run_scoped3A_361, %dma_start3A_377] : memref<2x128xi32, #tpu.memory_space<vmem>> -> memref<1x128xi32, #tpu.memory_space<vmem>>
          %dma_start3A_379 = tpu.memref_squeeze %dma_start3A_378 : memref<1x128xi32, #tpu.memory_space<vmem>> -> memref<128xi32, #tpu.memory_space<vmem>>
          %dma_start3A_380 = arith.constant 0 : i32
          %dma_start3A_381 = arith.constant 0 : i32
          %dma_start3A_382 = tpu.memref_slice %arg8[%dma_start3A_380, %dma_start3A_381] : memref<10240x128xf32, #tpu.memory_space<vmem_shared>> -> memref<10240x128xf32, #tpu.memory_space<vmem_shared>>
          tpu.enqueue_indirect_dma source(%dma_start3A_372 : memref<128x128xf32, #tpu.memory_space<vmem>>) target(%dma_start3A_382 : memref<10240x128xf32, #tpu.memory_space<vmem_shared>>) offsets(%dma_start3A_379 : memref<128xi32, #tpu.memory_space<vmem>>) semaphore(%run_scoped3A_368 : memref<!tpu.dma_semaphore, #tpu.memory_space<semaphore_mem>>) {add = true}
          %dma_wait3A_383 = arith.constant 0 : i32
          %dma_wait3A_384 = arith.constant 0 : i32
          %dma_wait3A_385 = tpu.memref_slice %arg7[%run_scoped3A, %dma_wait3A_383, %dma_wait3A_384] : memref<2x128x128xf32, #tpu.memory_space<vmem>> -> memref<1x128x128xf32, #tpu.memory_space<vmem>>
          %dma_wait3A_386 = tpu.memref_squeeze %dma_wait3A_385 : memref<1x128x128xf32, #tpu.memory_space<vmem>> -> memref<128x128xf32, #tpu.memory_space<vmem>>
          %dma_wait3A_387 = arith.constant 0 : i32
          %dma_wait3A_388 = arith.constant 0 : i32
          %dma_wait3A_389 = tpu.memref_slice %arg6[%run_scoped3A_360, %dma_wait3A_387, %dma_wait3A_388] : memref<2x2x128xi32, #tpu.memory_space<vmem>> -> memref<1x2x128xi32, #tpu.memory_space<vmem>>
          %dma_wait3A_390 = tpu.memref_squeeze %dma_wait3A_389 : memref<1x2x128xi32, #tpu.memory_space<vmem>> -> memref<2x128xi32, #tpu.memory_space<vmem>>
          %dma_wait3A_391 = arith.constant 0 : i32
          %dma_wait3A_392 = tpu.memref_slice %dma_wait3A_390[%run_scoped3A_361, %dma_wait3A_391] : memref<2x128xi32, #tpu.memory_space<vmem>> -> memref<1x128xi32, #tpu.memory_space<vmem>>
          %dma_wait3A_393 = tpu.memref_squeeze %dma_wait3A_392 : memref<1x128xi32, #tpu.memory_space<vmem>> -> memref<128xi32, #tpu.memory_space<vmem>>
          %dma_wait3A_394 = arith.constant 0 : i32
          %dma_wait3A_395 = arith.constant 0 : i32
          %dma_wait3A_396 = tpu.memref_slice %arg8[%dma_wait3A_394, %dma_wait3A_395] : memref<10240x128xf32, #tpu.memory_space<vmem_shared>> -> memref<10240x128xf32, #tpu.memory_space<vmem_shared>>
          tpu.wait_indirect_dma semaphore(%run_scoped3A_368 : memref<!tpu.dma_semaphore, #tpu.memory_space<semaphore_mem>>) src(%dma_wait3A_386 : memref<128x128xf32, #tpu.memory_space<vmem>>) dst(%dma_wait3A_396 : memref<10240x128xf32, #tpu.memory_space<vmem_shared>>)
          tpu.yield
        }) : () -> ()
        %add3A_362 = arith.constant 2 : i32
        %add3A_363 = arith.addi %add3A_332, %add3A_362 : i32
        %lt3A_364 = arith.cmpi slt, %add3A_363, %add3A_3 : i32
        %convert_element_type3A_365 = arith.extui %lt3A_364 : i1 to i32
        %cond3A_366 = arith.constant 0 : i32
        %cond3A_367 = arith.cmpi ne, %convert_element_type3A_365, %cond3A_366 : i32
        scf.if %cond3A_367 {
          %add3A_368 = arith.constant 2 : i32
          %add3A_369 = arith.addi %add3A_332, %add3A_368 : i32
          %add3A_370 = arith.addi %add3A_7, %add3A_369 : i32
          %mul3A_371 = arith.constant 128 : i32
          %mul3A_372 = arith.muli %add3A_370, %mul3A_371 : i32
          %dma_start3A_373 = arith.constant 1 : i32
          %dma_start3A_374 = arith.constant 0 : i32
          %dma_start3A_375 = arith.constant 0 : i32
          %dma_start3A_376 = tpu.memref_slice %arg6[%dma_start3A_373, %dma_start3A_374, %dma_start3A_375] : memref<2x2x128xi32, #tpu.memory_space<vmem>> -> memref<1x2x128xi32, #tpu.memory_space<vmem>>
          %dma_start3A_377 = tpu.memref_squeeze %dma_start3A_376 : memref<1x2x128xi32, #tpu.memory_space<vmem>> -> memref<2x128xi32, #tpu.memory_space<vmem>>
          %dma_start3A_378 = arith.constant 0 : i32
          %dma_start3A_379 = tpu.memref_slice %arg3[%dma_start3A_378, %mul3A_372] : memref<2x160000xi32, #tpu.memory_space<hbm>> -> memref<2x128xi32, #tpu.memory_space<hbm>>
          %dma_start3A_380 = arith.constant 0 : i32
          %dma_start3A_381 = arith.constant 0 : i32
          %dma_start3A_382 = tpu.memref_slice %arg6[%dma_start3A_373, %dma_start3A_380, %dma_start3A_381] : memref<2x2x128xi32, #tpu.memory_space<vmem>> -> memref<1x2x128xi32, #tpu.memory_space<vmem>>
          %dma_start3A_383 = tpu.memref_squeeze %dma_start3A_382 : memref<1x2x128xi32, #tpu.memory_space<vmem>> -> memref<2x128xi32, #tpu.memory_space<vmem>>
          %dma_start3A_384 = arith.constant 0 : i32
          %dma_start3A_385 = tpu.memref_slice %arg3[%dma_start3A_384, %mul3A_372] : memref<2x160000xi32, #tpu.memory_space<hbm>> -> memref<2x128xi32, #tpu.memory_space<hbm>>
          tpu.enqueue_dma source(%dma_start3A_385 : memref<2x128xi32, #tpu.memory_space<hbm>>) target(%dma_start3A_383 : memref<2x128xi32, #tpu.memory_space<vmem>>) target_semaphore(%arg12 : memref<!tpu.dma_semaphore, #tpu.memory_space<semaphore_mem>>)
        } else {
        }
      } else {
      }
    }
    %scan3A_315 = arith.constant 40 : i32
    %barrier3A_316 = arith.constant 0 : index
    tpu.barrier barrier_id(%barrier3A_316)
    %mul3A_317 = arith.constant 10240 : i32
    %mul3A_318 = arith.muli %arg0, %mul3A_317 : i32
    %add3A_319 = arith.addi %mul3A_318, %mul3A_0 : i32
    "tpu.region"() ({
      %run_scoped3A = tpu.sem_alloc : memref<!tpu.dma_semaphore, #tpu.memory_space<semaphore_mem>>
      %dma_start3A_320 = arith.constant 0 : i32
      %dma_start3A_321 = tpu.memref_slice %arg5[%add3A_319, %dma_start3A_320] : memref<20480x128xf32, #tpu.memory_space<hbm>> -> memref<640x128xf32, #tpu.memory_space<hbm>>
      %dma_start3A_322 = arith.constant 0 : i32
      %dma_start3A_323 = tpu.memref_slice %arg8[%mul3A_0, %dma_start3A_322] : memref<10240x128xf32, #tpu.memory_space<vmem_shared>> -> memref<640x128xf32, #tpu.memory_space<vmem_shared>>
      tpu.enqueue_dma source(%dma_start3A_323 : memref<640x128xf32, #tpu.memory_space<vmem_shared>>) target(%dma_start3A_321 : memref<640x128xf32, #tpu.memory_space<hbm>>) target_semaphore(%run_scoped3A : memref<!tpu.dma_semaphore, #tpu.memory_space<semaphore_mem>>)
      %dma_wait3A_324 = arith.constant 0 : i32
      %dma_wait3A_325 = tpu.memref_slice %arg5[%add3A_319, %dma_wait3A_324] : memref<20480x128xf32, #tpu.memory_space<hbm>> -> memref<640x128xf32, #tpu.memory_space<hbm>>
      %dma_wait3A_326 = arith.constant 0 : i32
      %dma_wait3A_327 = tpu.memref_slice %arg8[%mul3A_0, %dma_wait3A_326] : memref<10240x128xf32, #tpu.memory_space<vmem_shared>> -> memref<640x128xf32, #tpu.memory_space<vmem_shared>>
      tpu.wait_dma2 semaphore(%run_scoped3A : memref<!tpu.dma_semaphore, #tpu.memory_space<semaphore_mem>>) src(%dma_wait3A_327 : memref<640x128xf32, #tpu.memory_space<vmem_shared>>) dst(%dma_wait3A_325 : memref<640x128xf32, #tpu.memory_space<hbm>>)
      tpu.yield
    }) : () -> ()
    return
  }
}

module attributes {stable_mosaic.version = 14 : i64} {
  func.func @body(%arg0: i32, %arg1: memref<1xf32, #tpu.memory_space<smem>>, %arg2: memref<2000x256xbf16, #tpu.memory_space<vmem>>, %arg3: memref<2x2000x128xf32, #tpu.memory_space<vmem>>, %arg4: memref<256x1024xbf16, #tpu.memory_space<vmem>>, %arg5: memref<1x1024xf32, #tpu.memory_space<vmem>>, %arg6: memref<1024x256xbf16, #tpu.memory_space<vmem>>, %arg7: memref<1x256xf32, #tpu.memory_space<vmem>>, %arg8: memref<2000x256xf32, #tpu.memory_space<vmem>>) attributes {dimension_semantics = [#tpu.dimension_semantics<arbitrary>], iteration_bounds = array<i64: 5>, scalar_prefetch = 0 : i64, scratch_operands = 0 : i64, tpu.core_type = #tpu.core_type<tc>, window_params = [{transform_indices = @transform_0, window_bounds = array<i64: 1>}, {transform_indices = @transform_1, window_bounds = array<i64: 2000, 256>}, {transform_indices = @transform_2, window_bounds = array<i64: 2, 2000, 128>}, {pipeline_mode = #tpu.pipeline_mode<synchronous>, transform_indices = @transform_3, window_bounds = array<i64: 256, 1024>}, {pipeline_mode = #tpu.pipeline_mode<synchronous>, transform_indices = @transform_4, window_bounds = array<i64: 1, 1024>}, {pipeline_mode = #tpu.pipeline_mode<synchronous>, transform_indices = @transform_5, window_bounds = array<i64: 1024, 256>}, {pipeline_mode = #tpu.pipeline_mode<synchronous>, transform_indices = @transform_6, window_bounds = array<i64: 1, 256>}, {transform_indices = @transform_7, window_bounds = array<i64: 2000, 256>}]} {
    %get3A = arith.constant 0 : index
    %get3A_0 = memref.load %arg1[%get3A] : memref<1xf32, #tpu.memory_space<smem>>
    %add3A = arith.constant 1.000000e+00 : f32
    %add3A_1 = arith.addf %add3A, %get3A_0 : f32
    %get3A_2 = arith.constant 0 : index
    %get3A_3 = arith.constant 0 : index
    %get3A_4 = arith.constant 0 : index
    %get3A_5 = vector.load %arg3[%get3A_2, %get3A_3, %get3A_4] : memref<2x2000x128xf32, #tpu.memory_space<vmem>>, vector<1x2000x128xf32>
    %get3A_6 = vector.shape_cast %get3A_5 : vector<1x2000x128xf32> to vector<2000x128xf32>
    %get3A_7 = arith.constant 1 : index
    %get3A_8 = arith.constant 0 : index
    %get3A_9 = arith.constant 0 : index
    %get3A_10 = vector.load %arg3[%get3A_7, %get3A_8, %get3A_9] : memref<2x2000x128xf32, #tpu.memory_space<vmem>>, vector<1x2000x128xf32>
    %get3A_11 = vector.shape_cast %get3A_10 : vector<1x2000x128xf32> to vector<2000x128xf32>
    %concatenate3A = tpu.concatenate %get3A_6, %get3A_11 in 1 : vector<2000x128xf32>, vector<2000x128xf32> -> vector<2000x256xf32>
    %get3A_12 = arith.constant 0 : index
    %get3A_13 = arith.constant 0 : index
    %get3A_14 = vector.load %arg2[%get3A_12, %get3A_13] : memref<2000x256xbf16, #tpu.memory_space<vmem>>, vector<2000x256xbf16>
    %convert_element_type3A = arith.extf %get3A_14 : vector<2000x256xbf16> to vector<2000x256xf32>
    %mul3A = vector.broadcast %add3A_1 : f32 to vector<2000x256xf32>
    %mul3A_15 = arith.mulf %mul3A, %convert_element_type3A : vector<2000x256xf32>
    %add3A_16 = arith.addf %mul3A_15, %concatenate3A : vector<2000x256xf32>
    %convert_element_type3A_17 = arith.truncf %add3A_16 : vector<2000x256xf32> to vector<2000x256xbf16>
    %get3A_18 = arith.constant 0 : index
    %get3A_19 = arith.constant 0 : index
    %get3A_20 = vector.load %arg4[%get3A_18, %get3A_19] : memref<256x1024xbf16, #tpu.memory_space<vmem>>, vector<256x1024xbf16>
    %dot_general3A = arith.constant dense<0.000000e+00> : vector<2000x1024xf32>
    %dot_general3A_21 = tpu.matmul %convert_element_type3A_17, %get3A_20, %dot_general3A {dimension_numbers = #tpu.dot_dimension_numbers<[1], [0], [0], [1], [0, 0, 1, 1], [], []>, transpose_lhs_hint = false} : vector<2000x256xbf16>, vector<256x1024xbf16>, vector<2000x1024xf32> -> vector<2000x1024xf32>
    %get3A_22 = arith.constant 0 : index
    %get3A_23 = arith.constant 0 : index
    %get3A_24 = vector.load %arg5[%get3A_22, %get3A_23] : memref<1x1024xf32, #tpu.memory_space<vmem>>, vector<1x1024xf32>
    %add3A_25 = vector.broadcast %get3A_24 : vector<1x1024xf32> to vector<2000x1024xf32>
    %add3A_26 = arith.addf %dot_general3A_21, %add3A_25 : vector<2000x1024xf32>
    %max3A = arith.constant 0.000000e+00 : f32
    %max3A_27 = vector.broadcast %max3A : f32 to vector<2000x1024xf32>
    %max3A_28 = arith.maximumf %add3A_26, %max3A_27 : vector<2000x1024xf32>
    %convert_element_type3A_29 = arith.truncf %max3A_28 : vector<2000x1024xf32> to vector<2000x1024xbf16>
    %get3A_30 = arith.constant 0 : index
    %get3A_31 = arith.constant 0 : index
    %get3A_32 = vector.load %arg6[%get3A_30, %get3A_31] : memref<1024x256xbf16, #tpu.memory_space<vmem>>, vector<1024x256xbf16>
    %dot_general3A_33 = arith.constant dense<0.000000e+00> : vector<2000x256xf32>
    %dot_general3A_34 = tpu.matmul %convert_element_type3A_29, %get3A_32, %dot_general3A_33 {dimension_numbers = #tpu.dot_dimension_numbers<[1], [0], [0], [1], [0, 0, 1, 1], [], []>, transpose_lhs_hint = false} : vector<2000x1024xbf16>, vector<1024x256xbf16>, vector<2000x256xf32> -> vector<2000x256xf32>
    %get3A_35 = arith.constant 0 : index
    %get3A_36 = arith.constant 0 : index
    %get3A_37 = vector.load %arg7[%get3A_35, %get3A_36] : memref<1x256xf32, #tpu.memory_space<vmem>>, vector<1x256xf32>
    %add3A_38 = vector.broadcast %get3A_37 : vector<1x256xf32> to vector<2000x256xf32>
    %add3A_39 = arith.addf %dot_general3A_34, %add3A_38 : vector<2000x256xf32>
    %swap3A = arith.constant 0 : index
    %swap3A_40 = arith.constant 0 : index
    %swap3A_41 = vector.load %arg8[%swap3A, %swap3A_40] : memref<2000x256xf32, #tpu.memory_space<vmem>>, vector<2000x256xf32>
    tpu.vector_store %arg8[%swap3A, %swap3A_40], %add3A_39 {strides = array<i32>} : memref<2000x256xf32, #tpu.memory_space<vmem>>, vector<2000x256xf32>,
    return
  }
  func.func @transform_0(%arg0: i32) -> i32 {
    %c0_i32 = arith.constant 0 : i32
    %c0_i32_0 = arith.constant 0 : i32
    return %c0_i32 : i32
  }
  func.func @transform_1(%arg0: i32) -> (i32, i32) {
    %c0_i32 = arith.constant 0 : i32
    %c0_i32_0 = arith.constant 0 : i32
    return %arg0, %c0_i32 : i32, i32
  }
  func.func @transform_2(%arg0: i32) -> (i32, i32, i32) {
    %c0_i32 = arith.constant 0 : i32
    %c0_i32_0 = arith.constant 0 : i32
    %c0_i32_1 = arith.constant 0 : i32
    return %c0_i32, %arg0, %c0_i32_0 : i32, i32, i32
  }
  func.func @transform_3(%arg0: i32) -> (i32, i32) {
    %c0_i32 = arith.constant 0 : i32
    %c0_i32_0 = arith.constant 0 : i32
    %c0_i32_1 = arith.constant 0 : i32
    return %c0_i32, %c0_i32_0 : i32, i32
  }
  func.func @transform_4(%arg0: i32) -> (i32, i32) {
    %c0_i32 = arith.constant 0 : i32
    %c0_i32_0 = arith.constant 0 : i32
    %c0_i32_1 = arith.constant 0 : i32
    return %c0_i32, %c0_i32_0 : i32, i32
  }
  func.func @transform_5(%arg0: i32) -> (i32, i32) {
    %c0_i32 = arith.constant 0 : i32
    %c0_i32_0 = arith.constant 0 : i32
    %c0_i32_1 = arith.constant 0 : i32
    return %c0_i32, %c0_i32_0 : i32, i32
  }
  func.func @transform_6(%arg0: i32) -> (i32, i32) {
    %c0_i32 = arith.constant 0 : i32
    %c0_i32_0 = arith.constant 0 : i32
    %c0_i32_1 = arith.constant 0 : i32
    return %c0_i32, %c0_i32_0 : i32, i32
  }
  func.func @transform_7(%arg0: i32) -> (i32, i32) {
    %c0_i32 = arith.constant 0 : i32
    %c0_i32_0 = arith.constant 0 : i32
    return %arg0, %c0_i32 : i32, i32
  }
}

</mosaic_0001>

<sc_bundles>
// kernel: kernel.4.cloned.1.call-start
scs
__scs_entry_jumppad:
0x0: {  	(pc) =	sbr.rel $0x88, $3  }
0x1: {  	(tag) =	ssettag $0x0;
	lr =	simm.s32 $0x1  }
0x2: {  	[smem:$0x3F9A] =	sst lr;
	_ =	strace $0xD0000000  }
0x3: {  	_ = 	snop  }
0x4: {  	_ = 	snop  }
0x5: {  	_ = 	snop  }
0x6: {  	_ = 	snop  }
0x7: {  	_ = 	snop  }
__scs_overlays_trampoline_lowered:
0x8: {  	[smem:$0x3FA9] =	sst s0  }
0x9: {  	[smem:$0x3FAA] =	sst s1  }
0xa: {  	[smem:$0x3FAB] =	sst s2  }
0xb: {  	[smem:$0x3FAC] =	sst s3  }
0xc: {  	[smem:$0x3FAD] =	sst s4  }
0xd: {  	[smem:$0x3FAE] =	sst s5  }
0xe: {  	[smem:$0x3FAF] =	sst s6  }
0xf: {  	[smem:$0x3FB0] =	sst s7  }
0x10: {  	[smem:$0x3FB1] =	sst s8  }
0x11: {  	[smem:$0x3FB2] =	sst s9;
	s0 =	simm.s32 @!p0 $0x0  }
0x12: {  	s1 =	sld [smem:$0x3F98];
	s0 =	simm.s32 @p0 $0x1  }
0x13: {  	[smem:$0x3FB3] =	sst s0;
	s0 =	simm.s32 @!p1 $0x0  }
0x14: {  	s2 =	sld [smem:$0x3F97];
	s0 =	simm.s32 @p1 $0x1  }
0x15: {  	[smem:$0x3FB4] =	sst s0;
	s0 =	simm.s32 @!p2 $0x0  }
0x16: {  	s3 =	sld [smem:$0x3FDB];
	s0 =	simm.s32 @p2 $0x1  }
0x17: {  	s4 =	simm.s32 $0x1BF5;
	[smem:$0x3FB6] =	sst s0  }
0x18: {  	s0 =	sld [smem:$0x3F99];
	_ =	swait.ge [sflag:s4], $0x0  }
0x19: {  	s7 =	sld [smem:$0x3F9A]  }
0x1a: {  	s8 =	sadd.s32 $0xFFFFE003, lr  }
0x1b: {  	s9 =	sadd.s32 $0xFFFFFEF7, lr;
	s5 =	simm.s32 $0xFFFFFFFF;
	p2 =	slt.u32 s8, $0xFFFFF086  }
0x1c: {  	p1 =	slt.u32 s9, $0xF7A;
	s5 =	simm.s32 @!p2 $0x0  }
0x1d: {  	s5 =	simm.s32 @p1 $0x1;
	p0 =	seq.s32 s7, s2  }
0x1e: {  	s7 =	smul.u32 @!p0 $0xF7A, s2;
	p2 =	seq.s32 @!p0 s5, $0x0  }
0x1f: {  	s9 =	smul.u32 $0xF7A, s1;
	s8 =	simm.s32 @!p0 $0x1BF5;
	p2 =	por !p2, p0  }
0x20: {  	[sflag:s8] =	ssyncset.s32 @!p0 $0xFFFFF086;
	s6 =	sadd.s32 @!p0 s3, s7;
	s7 =	simm.s32 @!p0 $0x108  }
0x21: {  	s3 =	sadd.s32 s3, s9;
	s6 =	sadd.s32 @!p0 $0x88, s6;
	s7 =	simm.s32 @p2 $0x1082  }
0x22: {  	[simem:s7], [sflag:s8] =	dma.local @!p0 [hbm:s6], $0xF7A  }
0x23: {  	s9 =	sor.u32 $0xD0000000, s2;
	s6 =	simm.s32 $0x108;
	_ =	swait.ge @!p0 [sflag:s8], $0x0  }
0x24: {  	s3 =	sadd.s32 $0x88, s3;
	s6 =	simm.s32 @!p1 $0x1082;
	[sflag:s4] =	ssyncset.s32 $0xFFFFF086  }
0x25: {  	[simem:s6], [sflag:s4] =	dma.local [hbm:s3], $0xF7A  }
0x26: {  	[smem:$0x3F9A] =	sst s1;
	(tag) =	ssettag s2;
	_ =	strace s9  }
0x27: {  	s1 =	sld [smem:$0x3FAA]  }
0x28: {  	s2 =	sld [smem:$0x3FAB]  }
0x29: {  	s4 =	sld [smem:$0x3FAD]  }
0x2a: {  	p0 =	seq.s32 s5, $0x0;
	s5 =	sld [smem:$0x3FAE]  }
0x2b: {  	s6 =	sld [smem:$0x3FAF]  }
0x2c: {  	s7 =	sld [smem:$0x3FB0]  }
0x2d: {  	s3 =	simm.s32 $0x108;
	s8 =	sld [smem:$0x3FB1]  }
0x2e: {  	s3 =	simm.s32 @!p0 $0x1082;
	s9 =	sld [smem:$0x3FB2]  }
0x2f: {  	lr =	sadd.s32 s0, s3;
	s0 =	sld [smem:$0x3FA9]  }
0x30: {  	s3 =	sld [smem:$0x3FAC]  }
0x31: {  	[smem:$0x3FB5] =	sst s10  }
0x32: {  	s10 =	sld [smem:$0x3FB3];
	_ =	sdelay $0x3  }
0x33: {  	p0 =	seq.s32 s10, $0x1;
	s10 =	sld [smem:$0x3FB5];
	_ =	sdelay $0x3  }
0x34: {  	[smem:$0x3FB5] =	sst s10  }
0x35: {  	s10 =	sld [smem:$0x3FB4];
	_ =	sdelay $0x3  }
0x36: {  	p1 =	seq.s32 s10, $0x1;
	s10 =	sld [smem:$0x3FB5];
	_ =	sdelay $0x3  }
0x37: {  	[smem:$0x3FB5] =	sst s10  }
0x38: {  	s10 =	sld [smem:$0x3FB6]  }
0x39: {  	_ = 	snop;
	(pc) =	sbr.ind lr, $3  }
0x3a: {  	_ = 	snop  }
0x3b: {  	_ = 	snop  }
0x3c: {  	p2 =	seq.s32 s10, $0x1;
	s10 =	sld [smem:$0x3FB5]  }
0x3d: {  	_ =	shalt  }
0x3e: {  	_ =	shalt  }
0x3f: {  	_ =	shalt  }
0x40: {  	_ =	shalt  }
0x41: {  	_ =	shalt  }
0x42: {  	_ =	shalt  }
0x43: {  	_ =	shalt  }
0x44: {  	_ =	shalt  }
0x45: {  	_ =	shalt  }
0x46: {  	_ =	shalt  }
0x47: {  	_ =	shalt  }
0x48: {  	_ =	shalt  }
0x49: {  	_ =	shalt  }
0x4a: {  	_ =	shalt  }
0x4b: {  	_ =	shalt  }
0x4c: {  	_ =	shalt  }
0x4d: {  	_ =	shalt  }
0x4e: {  	_ =	shalt  }
0x4f: {  	_ =	shalt  }
0x50: {  	_ =	shalt  }
0x51: {  	_ =	shalt  }
0x52: {  	_ =	shalt  }
0x53: {  	_ =	shalt  }
0x54: {  	_ =	shalt  }
0x55: {  	_ =	shalt  }
0x56: {  	_ =	shalt  }
0x57: {  	_ =	shalt  }
0x58: {  	_ =	shalt  }
0x59: {  	_ =	shalt  }
0x5a: {  	_ =	shalt  }
0x5b: {  	_ =	shalt  }
0x5c: {  	_ =	shalt  }
0x5d: {  	_ =	shalt  }
0x5e: {  	_ =	shalt  }
0x5f: {  	_ =	shalt  }
0x60: {  	_ =	shalt  }
0x61: {  	_ =	shalt  }
0x62: {  	_ =	shalt  }
0x63: {  	_ =	shalt  }
0x64: {  	_ =	shalt  }
0x65: {  	_ =	shalt  }
0x66: {  	_ =	shalt  }
0x67: {  	_ =	shalt  }
0x68: {  	_ =	shalt  }
0x69: {  	_ =	shalt  }
0x6a: {  	_ =	shalt  }
0x6b: {  	_ =	shalt  }
0x6c: {  	_ =	shalt  }
0x6d: {  	_ =	shalt  }
0x6e: {  	_ =	shalt  }
0x6f: {  	_ =	shalt  }
0x70: {  	_ =	shalt  }
0x71: {  	_ =	shalt  }
0x72: {  	_ =	shalt  }
0x73: {  	_ =	shalt  }
0x74: {  	_ =	shalt  }
0x75: {  	_ =	shalt  }
0x76: {  	_ =	shalt  }
0x77: {  	_ =	shalt  }
0x78: {  	_ =	shalt  }
0x79: {  	_ =	shalt  }
0x7a: {  	_ =	shalt  }
0x7b: {  	_ =	shalt  }
0x7c: {  	_ =	shalt  }
0x7d: {  	_ =	shalt  }
0x7e: {  	_ =	shalt  }
0x7f: {  	_ =	shalt  }
0x80: {  	_ =	shalt  }
0x81: {  	_ =	shalt  }
0x82: {  	_ =	shalt  }
0x83: {  	_ =	shalt  }
0x84: {  	_ =	shalt  }
0x85: {  	_ =	shalt  }
0x86: {  	_ =	shalt  }
0x87: {  	_ =	shalt  }
.Lfunc_end0:
.L_simem_size_0:
called_computation_lowered:
.L_overlay_start_0:
0x88: {  	s2 =	sld [smem:$0x3FD9]  }
0x89: {  	s3 =	sld [smem:$0x3FFE];
	_ =	sdelay $0x1  }
0x8a: {  	s1 =	srdreg.scid  }
0x8b: {  	s0 =	sand.u32 $0x1, s1  }
0x8c: {  	s17 =	sshll.u32 s0, $0xA;
	s2 =	sadd.s32 s3, s2  }
0x8d: {  	s2 =	sadd.s32 s2, s17  }
0x8e: {  	[smem:$0x3FC1] =	sst s2  }
0x8f: {  	_ = 	snop  }
0x90: {  	s2 =	sld [smem:$0x3FC8]  }
0x91: {  	s18 =	sld [smem:$0x3FD0];
	(tm) =	ssettm $0x1  }
0x92: {  	s4 =	sld [smem:$0x3FFB];
	_ =	sdelay $0x3  }
0x93: {  	_ =	strace s4  }
0x94: {  	s4 =	sld [smem:$0x3FFC];
	_ =	sdelay $0x3  }
0x95: {  	_ =	strace s4  }
0x96: {  	s4 =	sld [smem:$0x3FFD];
	_ =	sdelay $0x3  }
0x97: {  	_ =	strace s4  }
0x98: {  	_ =	strace $0x8FFFFFFF  }
0x99: {  	s19 =	sld [smem:$0x3FDB];
	_ =	sdelay $0x1  }
0x9a: {  	s5 =	simm.s32 $_scs_section_size  }
0x9b: {  	s6 =	simm.s32 $_size__tile_overlayer_lowered;
	s7 =	simm.s32 $_tile_overlayer_lowered  }
0x9c: {  	s22 =	simm.s32 $0x1BFF;
	s21 =	sshll.u32 s7, $0x1;
	s4 =	sadd.s32 s5, s19  }
0x9d: {  	s8 =	simm.s32 $0x0;
	s20 =	sshll.u32 s6, $0x1;
	s6 =	sadd.s32 s21, s4  }
0x9e: {  	[timem:s8], [sflag:s22] =	dma.local [hbm:s6], s20  }
0x9f: {  	_ =	swait.ge [sflag:s22], s20  }
0xa0: {  	s5 =	ssub.s32 $0x0, s20;
	[sflag:s22] =	ssyncset.done $0x0  }
0xa1: {  	[sflag:s22] =	ssyncadd.s32 s5;
	_ =	sdelay $0x1  }
0xa2: {  	s23 =	simm.s32 $0x1B8B  }
0xa3: {  	_ =	swait.ge [sflag:s23], $0x1  }
0xa4: {  	[sflag:s23] =	ssyncset.done $0x0  }
0xa5: {  	s25 =	simm.s32 $0x1B8E;
	s24 =	sld [smem:$0x3FFE];
	[sflag:s23] =	ssyncadd.s32 $0xFFFFFFFF  }
0xa6: {  	s26 =	simm.s32 $execute0_lowered;
	[smem:$0x3FD2] =	sst s25  }
0xa7: {  	s6 =	sshll.u32 s26, $0x1;
	_ =	strace $0x80000046;
	[dreg:$0x1] =	wrdreg $0xFFFFFFFF  }
0xa8: {  	s28 =	simm.s32 $_size_execute0_lowered;
	s4 =	sadd.s32 s4, s6;
	[dreg:$0x0] =	wrdreg $0x0  }
0xa9: {  	s6 =	sshll.u32 s28, $0x1;
	[dreg:$0x2] =	wrdreg s4  }
0xaa: {  	[dreg:$0x3] =	wrdreg s6  }
0xab: {  	[dreg:$0x4] =	wrdreg $0xC0  }
0xac: {  	_ =	task [dreg:s8], $0x5FFFF  }
0xad: {  	[dreg:$0x1] =	wrdreg $0xFFFFFFFF  }
0xae: {  	[dreg:$0x0] =	wrdreg $0x60  }
0xaf: {  	[dreg:$0x2] =	wrdreg s18  }
0xb0: {  	[dreg:$0x3] =	wrdreg s2  }
0xb1: {  	[dreg:$0x4] =	wrdreg s24  }
0xb2: {  	[dreg:$0x5] =	wrdreg $0x82000  }
0xb3: {  	[dreg:$0x6] =	wrdreg $0x9  }
0xb4: {  	_ =	task.clear_ibuf [dreg:s8], $0x7FFFF;
	_ =	strace $0x90000046  }
0xb5: {  	s29 =	simm.s32 $0x9;
	_ =	strace $0x80000048  }
0xb6: {  	_ =	swait.ge [sflag:s29], $0x1  }
0xb7: {  	[sflag:s29] =	ssyncadd.s32 $0xFFFFFFFF  }
0xb8: {  	_ =	strace $0x90000048  }
0xb9: {  	_ =	sfence  }
0xba: {  	s30 =	sld [smem:$0x0];
	_ =	sdelay $0x2  }
0xbb: {  	s31 =	sshll.u32 s1, $0xD;
	s1 =	sshrl.u32 s1, $0x2  }
0xbc: {  	s3 =	sand.u32 $0x4000, s31;
	s1 =	sadd.s32 s1, s30  }
0xbd: {  	s0 =	sor.u32 s3, s0;
	s1 =	sshll.u32 s1, $0x11  }
0xbe: {  	s0 =	sor.u32 s1, s0  }
0xbf: {  	s0 =	sadd.s32 $0x8F2B, s0  }
0xc0: {  	[sflag:s0] =	ssyncadd.remote.s32 $0x1  }
0xc1: {  	_ =	sfence.sel $0xFFFF  }
0xc2: {  	[dreg:$0x0] =	wrdreg $0xFFFFFFFF;
	(pc) =	sbr.abs _section_cstart, $3  }
0xc3: {  	[dreg:$0x1] =	wrdreg $0xFFFFFFFF  }
0xc4: {  	_ =	task.clear_ibuf [dreg:s8], $0x2FFFF;
	_ =	strace $0x9FFFFFFF  }
0xc5: {  	(tm) =	ssettm $0x7FFFFFFF  }
tec
execute0_lowered:
.L_overlay_start_1:
0x0: {  	(tag) =	ssettag $0x1  }
0x1: {  	s1 =	rddreg [dreg:$0x0]  }
0x2: {  	s0 =	rddreg [dreg:$0x1]  }
0x3: {  	s2 =	rddreg [dreg:$0x2]  }
0x4: {  	s3 =	rddreg [dreg:$0x3]  }
0x5: {  	s5 =	srdreg.scid;
	s12 =	stileid.u32  }
0x6: {  	s4 =	simm.s32 $0x0;
	s15 =	simm.s32 $0x100;
	s17 =	simm.s32 $0x5  }
0x7: {  	s18 =	simm.s32 $0x3;
	s20 =	simm.s32 $0x200;
	s6 =	smul.u32 $0x2800, s12  }
0x8: {  	s21 =	simm.s32 $0x0;
	s19 =	sand.u32 $0x1, s5;
	s29 =	smul.u32 $0x4E, s12  }
0x9: {  	[smem:$0x7FF] =	sst s4;
	s11 =	smin.u32 s12, $0x2;
	s10 =	smul.u32 $0x50000, s12  }
0xa: {  	p0 =	slt.u32 s12, $0x2;
	s31 =	sshll.u32 s12, $0x6;
	s12 =	smul.u32 $0x9C0, s12  }
0xb: {  	s5 =	sadd.s32 $0x1A00, s2;
	s7 =	smul.u32 $0x28000, s19;
	_ =	strace $0x80000047  }
0xc: {  	s8 =	ssub.s32 $0x2, s19;
	s14 =	sshll.u32 s11, $0x5;
	v0 =	vmov s19;
	s19 =	simm.s32 $0x80  }
0xd: {  	s9 =	sshrl.u32 s8, $0x1;
	s30 =	sshrl.u32 s10, $0x2;
	s6 =	sadd.s32 s6, s7  }
0xe: {  	s7 =	sadd.s32 s11, s29;
	s13 =	ssub.s32 s8, s9;
	s16 =	sadd.s32 s30, s3  }
0xf: {  	s9 =	sor.u32 $0x1C05, s31;
	s2 =	sadd.s32 s6, s2;
	s6 =	simm.s32 $0x4F  }
0x10: {  	s7 =	sshll.u32 s7, $0x5;
	s13 =	smax.u32 s13, $0x1;
	s16 =	sshrl.u32 s16, $0x3  }
0x11: {  	s6 =	simm.s32 @!p0 $0x4E;
	s7 =	sadd.s32 s0, s7;
	s0 =	sadd.s32 s12, s0  }
0x12: {  	s12 =	sadd.s32 $0x4200, s2;
	s8 =	sadd.s32 $0x20, s7;
	s0 =	sadd.s32 s14, s0  }
0x13: {  	s10 =	sadd.s32 $0xFFFFFFFF, s6;
	s11 =	sadd.s32 $0xFFFFFFFE, s6;
	s14 =	sadd.s32 $0x60, s0  }
.LBB2_1:
0x14: {  	[tilespmem:s4], [sflag:$0x3] =	stream.linear.gather [hbm4b:s7+s4], $0x100, $0x38;
	[tilespmem:$0x1C200] =	vst v63  }
0x15: {  	_ = 	snop  }
0x16: {  	[tilespmem:s15], [sflag:$0x4] =	stream.linear.gather [hbm4b:s8+s4], $0x100, $0x38;
	[tilespmem:$0x1C200] =	vst v63  }
0x17: {  	[spmem:s16], [sflag:s9] =	dma.local [hbm:s5], $0x2800  }
0x18: {  	_ =	swait.ge [sflag:s17], $0x2800  }
0x19: {  	[sflag:s17] =	ssyncset.done $0x0  }
0x1a: {  	[sflag:s17] =	ssyncadd.s32 $0xFFFFD800  }
0x1b: {  	_ =	swait.ge [sflag:s18], $0x100  }
0x1c: {  	[sflag:s18] =	ssyncset.done $0x0  }
0x1d: {  	[sflag:s18] =	ssyncadd.s32 $0xFFFFFF00  }
0x1e: {  	v1 =	vld [tilespmem:$0x0]  }
0x1f: {  	v2 =	vld [tilespmem:$0x10]  }
0x20: {  	v3 =	vld [tilespmem:$0x20]  }
0x21: {  	v4 =	vld [tilespmem:$0x30]  }
0x22: {  	v5 =	vld [tilespmem:$0x40]  }
0x23: {  	v6 =	vld [tilespmem:$0x50];
	v1 =	vshll.u32 v1, $0x1  }
0x24: {  	v7 =	vld [tilespmem:$0x60];
	v2 =	vshll.u32 v2, $0x1;
	v1 =	vor.u32 v0, v1  }
0x25: {  	[tilespmem:$0x0] =	vst v1;
	v1 =	vor.u32 v0, v2;
	v2 =	vshll.u32 v3, $0x1;
	v3 =	vld [tilespmem:$0x70]  }
0x26: {  	[tilespmem:$0x10] =	vst v1;
	v1 =	vor.u32 v0, v2;
	v2 =	vshll.u32 v4, $0x1  }
0x27: {  	[tilespmem:$0x20] =	vst v1;
	v1 =	vor.u32 v0, v2;
	v2 =	vshll.u32 v5, $0x1  }
0x28: {  	[tilespmem:$0x30] =	vst v1;
	v1 =	vor.u32 v0, v2;
	v2 =	vshll.u32 v6, $0x1  }
0x29: {  	[tilespmem:$0x40] =	vst v1;
	v1 =	vor.u32 v0, v2;
	v2 =	vshll.u32 v7, $0x1  }
0x2a: {  	[tilespmem:$0x50] =	vst v1;
	v1 =	vor.u32 v0, v2;
	v2 =	vshll.u32 v3, $0x1  }
0x2b: {  	p0 =	sle.u32 s6, $0x0;
	[tilespmem:$0x60] =	vst v1;
	v1 =	vor.u32 v0, v2  }
0x2c: {  	p0 =	por p0, p0;
	[tilespmem:$0x70] =	vst v1  }
0x2d: {  	[tilespmem:s20], [sflag:$0x1] =	stream.indirect.gather [hbm4b:s1+s19], $0x80, s4, s19, $0xb8;
	[tilespmem:$0x1C200] =	vst v63  }
0x2e: {  	s0 =	simm.s32 @!p0 $0x1;
	[bflag:$0x0] =	sbarrier.arrive $0xFFFF  }
0x2f: {  	p1 =	sle.u32 @!p0 s10, $0x0;
	_ =	swait.ge @!p0 [sflag:s0], $0x4000  }
0x30: {  	p1 =	por p1, p0;
	[sflag:s0] =	ssyncset.done @!p0 $0x0  }
0x31: {  	[sflag:s0] =	ssyncadd.s32 @!p0 $0xFFFFC000;
	s0 =	simm.s32 @!p1 $0x4  }
0x32: {  	_ =	swait.ge @!p1 [sflag:s0], $0x100  }
0x33: {  	[sflag:s0] =	ssyncset.done @!p1 $0x0  }
0x34: {  	[sflag:s0] =	ssyncadd.s32 @!p1 $0xFFFFFF00  }
0x35: {  	v1 =	vld @!p1 [tilespmem:$0x130]  }
0x36: {  	v2 =	vld @!p1 [tilespmem:$0x170]  }
0x37: {  	v3 =	vld @!p1 [tilespmem:$0x140]  }
0x38: {  	v4 =	vld @!p1 [tilespmem:$0x120]  }
0x39: {  	v5 =	vld @!p1 [tilespmem:$0x100]  }
0x3a: {  	v6 =	vld @!p1 [tilespmem:$0x150];
	v1 =	vshll.u32 @!p1 v1, $0x1  }
0x3b: {  	v7 =	vld @!p1 [tilespmem:$0x160];
	v2 =	vshll.u32 @!p1 v2, $0x1;
	v1 =	vor.u32 @!p1 v0, v1  }
0x3c: {  	v8 =	vld @!p1 [tilespmem:$0x110];
	v2 =	vor.u32 @!p1 v0, v2;
	[tilespmem:$0x130] =	vst @!p1 v1;
	v1 =	vshll.u32 @!p1 v3, $0x1  }
0x3d: {  	v3 =	vshll.u32 @!p1 v4, $0x1;
	[tilespmem:$0x170] =	vst @!p1 v2;
	v1 =	vor.u32 @!p1 v0, v1  }
0x3e: {  	v2 =	vshll.u32 @!p1 v5, $0x1;
	v3 =	vor.u32 @!p1 v0, v3;
	[tilespmem:$0x140] =	vst @!p1 v1  }
0x3f: {  	v1 =	vor.u32 @!p1 v0, v2;
	[tilespmem:$0x120] =	vst @!p1 v3;
	v2 =	vshll.u32 @!p1 v6, $0x1  }
0x40: {  	[tilespmem:$0x100] =	vst @!p1 v1;
	v1 =	vor.u32 @!p1 v0, v2;
	v2 =	vshll.u32 @!p1 v7, $0x1  }
0x41: {  	v3 =	vshll.u32 @!p1 v8, $0x1;
	[tilespmem:$0x150] =	vst @!p1 v1;
	v1 =	vor.u32 @!p1 v0, v2  }
0x42: {  	v2 =	vor.u32 @!p1 v0, v3;
	[tilespmem:$0x160] =	vst @!p1 v1  }
0x43: {  	s2 =	simm.s32 @!p1 $0x100;
	s22 =	simm.s32 @!p1 $0x4200;
	s0 =	simm.s32 @!p1 $0x80;
	[tilespmem:$0x110] =	vst @!p1 v2  }
0x44: {  	[tilespmem:s22], [sflag:$0x2] =	stream.indirect.gather @!p1 [hbm4b:s1+s0], $0x80, s2, s0, $0xb8;
	[tilespmem:$0x1C200] =	vst v63  }
0x45: {  	s0 =	simm.s32 @!p0 $0x80;
	s2 =	simm.s32 @!p0 $0x200;
	s22 =	simm.s32 @!p0 $0x5  }
0x46: {  	[spmem:s3] =	stream.indirect.scatter.add.f32 @!p0 [tilespmem:s2], [sflag:$0x5], $0x80, s0, s0, $0xb8;
	[tilespmem:$0x1C200] =	vst v63  }
0x47: {  	p1 =	sle.u32 @!p0 s6, $0x2;
	_ =	swait.ge @!p0 [sflag:s22], $0x4000  }
0x48: {  	p2 =	por p1, p0;
	p1 =	sle.u32 s10, $0x0;
	[sflag:s22] =	ssyncset.done @!p0 $0x0  }
0x49: {  	s0 =	sadd.s32 @!p2 $0xFFFFFFE0, s14;
	s2 =	simm.s32 @!p2 $0x0;
	[sflag:s22] =	ssyncadd.s32 @!p0 $0xFFFFC000  }
0x4a: {  	[tilespmem:s2], [sflag:$0x3] =	stream.linear.gather @!p2 [hbm4b:s0+s2], $0x100, $0x38;
	[tilespmem:$0x1C200] =	vst v63  }
0x4b: {  	s0 =	simm.s32 @!p1 $0x2  }
0x4c: {  	p0 =	sle.u32 @!p1 s11, $0x0;
	_ =	swait.ge @!p1 [sflag:s0], $0x4000  }
0x4d: {  	p2 =	por p0, p1;
	[sflag:s0] =	ssyncset.done @!p1 $0x0  }
0x4e: {  	[sflag:s0] =	ssyncadd.s32 @!p1 $0xFFFFC000;
	s0 =	simm.s32 @!p2 $0x3  }
0x4f: {  	_ =	swait.ge @!p2 [sflag:s0], $0x100  }
0x50: {  	[sflag:s0] =	ssyncset.done @!p2 $0x0  }
0x51: {  	[sflag:s0] =	ssyncadd.s32 @!p2 $0xFFFFFF00  }
0x52: {  	v1 =	vld @!p2 [tilespmem:$0x70]  }
0x53: {  	v2 =	vld @!p2 [tilespmem:$0x0]  }
0x54: {  	v3 =	vld @!p2 [tilespmem:$0x10]  }
0x55: {  	v4 =	vld @!p2 [tilespmem:$0x20]  }
0x56: {  	v5 =	vld @!p2 [tilespmem:$0x30]  }
0x57: {  	v6 =	vld @!p2 [tilespmem:$0x50];
	v1 =	vshll.u32 @!p2 v1, $0x1  }
0x58: {  	v7 =	vld @!p2 [tilespmem:$0x60];
	v2 =	vshll.u32 @!p2 v2, $0x1;
	v1 =	vor.u32 @!p2 v0, v1  }
0x59: {  	v3 =	vshll.u32 @!p2 v3, $0x1;
	v2 =	vor.u32 @!p2 v0, v2;
	[tilespmem:$0x70] =	vst @!p2 v1;
	v1 =	vld @!p2 [tilespmem:$0x40]  }
0x5a: {  	[tilespmem:$0x0] =	vst @!p2 v2;
	v2 =	vor.u32 @!p2 v0, v3;
	v3 =	vshll.u32 @!p2 v4, $0x1  }
0x5b: {  	[tilespmem:$0x10] =	vst @!p2 v2;
	v2 =	vor.u32 @!p2 v0, v3;
	v3 =	vshll.u32 @!p2 v5, $0x1  }
0x5c: {  	s23 =	simm.s32 $0x2;
	p6 =	sle.u32 s6, $0x2;
	p3 =	sle.u32 @!p1 s6, $0x3;
	[tilespmem:$0x20] =	vst @!p2 v2;
	v2 =	vor.u32 @!p2 v0, v3;
	v3 =	vshll.u32 @!p2 v6, $0x1  }
0x5d: {  	s24 =	simm.s32 $0x4;
	s26 =	simm.s32 @!p1 $0x80;
	p3 =	por p3, p1;
	[tilespmem:$0x30] =	vst @!p2 v2;
	v2 =	vor.u32 @!p2 v0, v3;
	v3 =	vshll.u32 @!p2 v7, $0x1  }
0x5e: {  	s30 =	simm.s32 @!p1 $0x5;
	s29 =	simm.s32 @!p3 $0x0;
	p0 =	por p6, p6;
	[tilespmem:$0x50] =	vst @!p2 v2;
	v2 =	vor.u32 @!p2 v0, v3;
	v1 =	vshll.u32 @!p2 v1, $0x1  }
0x5f: {  	s31 =	simm.s32 @!p3 $0x100;
	s22 =	sadd.s32 $0x40, s14;
	s28 =	simm.s32 @!p0 $0x4;
	[tilespmem:$0x60] =	vst @!p2 v2;
	v1 =	vor.u32 @!p2 v0, v1  }
0x60: {  	s2 =	simm.s32 @!p2 $0x0;
	s25 =	simm.s32 @!p2 $0x200;
	s0 =	simm.s32 @!p2 $0x80;
	[tilespmem:$0x40] =	vst @!p2 v1  }
0x61: {  	[tilespmem:s25], [sflag:$0x1] =	stream.indirect.gather @!p2 [hbm4b:s1+s0], $0x80, s2, s0, $0xb8;
	[tilespmem:$0x1C200] =	vst v63  }
0x62: {  	s0 =	simm.s32 @!p1 $0x180;
	s2 =	simm.s32 @!p1 $0x4200;
	s25 =	smov.u32 s14  }
.LBB2_2:
0x63: {  	[spmem:s3] =	stream.indirect.scatter.add.f32 @!p1 [tilespmem:s2], [sflag:$0x5], $0x80, s0, s26, $0xb8;
	[tilespmem:$0x1C200] =	vst v63  }
0x64: {  	s26 =	smov.u32 s24  }
0x65: {  	s24 =	sadd.s32 $0x2, s24;
	p2 =	sge.u32 @!p0 s23, s10;
	_ =	swait.ge @!p1 [sflag:s30], $0x4000  }
0x66: {  	p5 =	sge.u32 @!p0 s28, s6;
	p6 =	por p2, p0;
	[sflag:s30] =	ssyncset.done @!p1 $0x0  }
0x67: {  	s0 =	simm.s32 @!p0 $0x1;
	p4 =	sge.u32 s26, s6;
	[sflag:s30] =	ssyncadd.s32 @!p1 $0xFFFFC000  }
0x68: {  	[tilespmem:s31], [sflag:$0x4] =	stream.linear.gather @!p3 [hbm4b:s25+s29], $0x100, $0x38;
	[tilespmem:$0x1C200] =	vst v63  }
0x69: {  	p2 =	sne.s32 s24, $0x50;
	s25 =	smov.u32 s22;
	_ =	swait.ge @!p0 [sflag:s0], $0x4000  }
0x6a: {  	[sflag:s0] =	ssyncset.done @!p0 $0x0  }
0x6b: {  	[sflag:s0] =	ssyncadd.s32 @!p0 $0xFFFFC000;
	s0 =	simm.s32 @!p6 $0x4  }
0x6c: {  	_ =	swait.ge @!p6 [sflag:s0], $0x100  }
0x6d: {  	[sflag:s0] =	ssyncset.done @!p6 $0x0  }
0x6e: {  	[sflag:s0] =	ssyncadd.s32 @!p6 $0xFFFFFF00  }
0x6f: {  	v1 =	vld @!p6 [tilespmem:$0x130]  }
0x70: {  	v2 =	vld @!p6 [tilespmem:$0x170]  }
0x71: {  	v3 =	vld @!p6 [tilespmem:$0x140]  }
0x72: {  	v4 =	vld @!p6 [tilespmem:$0x120]  }
0x73: {  	v5 =	vld @!p6 [tilespmem:$0x100]  }
0x74: {  	v1 =	vshll.u32 @!p6 v1, $0x1;
	v6 =	vld @!p6 [tilespmem:$0x150]  }
0x75: {  	v1 =	vor.u32 @!p6 v0, v1;
	v7 =	vld @!p6 [tilespmem:$0x160];
	v2 =	vshll.u32 @!p6 v2, $0x1  }
0x76: {  	v8 =	vld @!p6 [tilespmem:$0x110];
	[tilespmem:$0x130] =	vst @!p6 v1;
	v1 =	vshll.u32 @!p6 v3, $0x1;
	v2 =	vor.u32 @!p6 v0, v2  }
0x77: {  	v3 =	vshll.u32 @!p6 v4, $0x1;
	v1 =	vor.u32 @!p6 v0, v1;
	[tilespmem:$0x170] =	vst @!p6 v2  }
0x78: {  	v2 =	vshll.u32 @!p6 v5, $0x1;
	v3 =	vor.u32 @!p6 v0, v3;
	[tilespmem:$0x140] =	vst @!p6 v1  }
0x79: {  	v1 =	vor.u32 @!p6 v0, v2;
	[tilespmem:$0x120] =	vst @!p6 v3;
	v2 =	vshll.u32 @!p6 v6, $0x1  }
0x7a: {  	[tilespmem:$0x100] =	vst @!p6 v1;
	v1 =	vor.u32 @!p6 v0, v2;
	v2 =	vshll.u32 @!p6 v7, $0x1  }
0x7b: {  	v3 =	vshll.u32 @!p6 v8, $0x1;
	[tilespmem:$0x150] =	vst @!p6 v1;
	v1 =	vor.u32 @!p6 v0, v2  }
0x7c: {  	v2 =	vor.u32 @!p6 v0, v3;
	[tilespmem:$0x160] =	vst @!p6 v1  }
0x7d: {  	s2 =	simm.s32 @!p6 $0x100;
	s28 =	simm.s32 @!p6 $0x4200;
	s0 =	simm.s32 @!p6 $0x80;
	[tilespmem:$0x110] =	vst @!p6 v2  }
0x7e: {  	[tilespmem:s28], [sflag:$0x2] =	stream.indirect.gather @!p6 [hbm4b:s1+s0], $0x80, s2, s0, $0xb8;
	[tilespmem:$0x1C200] =	vst v63  }
0x7f: {  	s0 =	simm.s32 @!p0 $0x80;
	s2 =	simm.s32 @!p0 $0x200;
	s28 =	simm.s32 @!p0 $0x5  }
0x80: {  	[spmem:s3] =	stream.indirect.scatter.add.f32 @!p0 [tilespmem:s2], [sflag:$0x5], $0x80, s0, s0, $0xb8;
	[tilespmem:$0x1C200] =	vst v63  }
0x81: {  	_ =	swait.ge @!p0 [sflag:s28], $0x4000  }
0x82: {  	p1 =	sge.u32 s23, s10;
	p3 =	por p5, p0;
	[sflag:s28] =	ssyncset.done @!p0 $0x0  }
0x83: {  	s0 =	sadd.s32 @!p3 $0xFFFFFFE0, s22;
	s2 =	simm.s32 @!p3 $0x0;
	[sflag:s28] =	ssyncadd.s32 @!p0 $0xFFFFC000  }
0x84: {  	[tilespmem:s2], [sflag:$0x3] =	stream.linear.gather @!p3 [hbm4b:s0+s2], $0x100, $0x38;
	[tilespmem:$0x1C200] =	vst v63  }
0x85: {  	p0 =	sge.u32 @!p1 s23, s11;
	s0 =	simm.s32 @!p1 $0x2;
	s2 =	sadd.s32 @!p1 $0x3, s23  }
0x86: {  	s23 =	smov.u32 s26;
	p3 =	sge.u32 @!p1 s2, s6;
	_ =	swait.ge @!p1 [sflag:s0], $0x4000  }
0x87: {  	p5 =	por p0, p1;
	p3 =	por p3, p1;
	[sflag:s0] =	ssyncset.done @!p1 $0x0  }
0x88: {  	p0 =	por p4, p4;
	[sflag:s0] =	ssyncadd.s32 @!p1 $0xFFFFC000;
	s0 =	simm.s32 @!p5 $0x3  }
0x89: {  	_ =	swait.ge @!p5 [sflag:s0], $0x100  }
0x8a: {  	[sflag:s0] =	ssyncset.done @!p5 $0x0  }
0x8b: {  	[sflag:s0] =	ssyncadd.s32 @!p5 $0xFFFFFF00  }
0x8c: {  	v1 =	vld @!p5 [tilespmem:$0x70]  }
0x8d: {  	v2 =	vld @!p5 [tilespmem:$0x0]  }
0x8e: {  	v3 =	vld @!p5 [tilespmem:$0x10]  }
0x8f: {  	v4 =	vld @!p5 [tilespmem:$0x20]  }
0x90: {  	v5 =	vld @!p5 [tilespmem:$0x30]  }
0x91: {  	v6 =	vld @!p5 [tilespmem:$0x50];
	v1 =	vshll.u32 @!p5 v1, $0x1  }
0x92: {  	v2 =	vshll.u32 @!p5 v2, $0x1;
	v7 =	vld @!p5 [tilespmem:$0x60];
	v1 =	vor.u32 @!p5 v0, v1  }
0x93: {  	v2 =	vor.u32 @!p5 v0, v2;
	v3 =	vshll.u32 @!p5 v3, $0x1;
	[tilespmem:$0x70] =	vst @!p5 v1  }
0x94: {  	[tilespmem:$0x0] =	vst @!p5 v2;
	v1 =	vor.u32 @!p5 v0, v3;
	v2 =	vshll.u32 @!p5 v4, $0x1;
	v3 =	vld @!p5 [tilespmem:$0x40]  }
0x95: {  	[tilespmem:$0x10] =	vst @!p5 v1;
	v1 =	vor.u32 @!p5 v0, v2;
	v2 =	vshll.u32 @!p5 v5, $0x1  }
0x96: {  	[tilespmem:$0x20] =	vst @!p5 v1;
	v1 =	vor.u32 @!p5 v0, v2;
	v2 =	vshll.u32 @!p5 v6, $0x1  }
0x97: {  	[tilespmem:$0x30] =	vst @!p5 v1;
	v1 =	vor.u32 @!p5 v0, v2;
	v2 =	vshll.u32 @!p5 v7, $0x1  }
0x98: {  	[tilespmem:$0x50] =	vst @!p5 v1;
	v1 =	vor.u32 @!p5 v0, v2  }
.Ltmp0:
0x99: {  	s22 =	sadd.s32 $0x40, s22;
	s28 =	sadd.s32 @!p0 $0x2, s23;
	v2 =	vshll.u32 @!p5 v3, $0x1;
	[tilespmem:$0x60] =	vst @!p5 v1;
	(pc) =	sbr.rel @p2 .LBB2_2-.Ltmp0, $4  }
0x9a: {  	s26 =	simm.s32 @!p1 $0x80;
	s2 =	simm.s32 @!p1 $0x4200;
	s0 =	simm.s32 @!p1 $0x180;
	v1 =	vor.u32 @!p5 v0, v2  }
0x9b: {  	s29 =	simm.s32 @!p5 $0x80;
	s30 =	simm.s32 @!p5 $0x0;
	s31 =	simm.s32 @!p5 $0x200;
	[tilespmem:$0x40] =	vst @!p5 v1  }
0x9c: {  	[tilespmem:s31], [sflag:$0x1] =	stream.indirect.gather @!p5 [hbm4b:s1+s29], $0x80, s30, s29, $0xb8;
	[tilespmem:$0x1C200] =	vst v63  }
0x9d: {  	s30 =	simm.s32 @!p1 $0x5;
	s29 =	simm.s32 @!p3 $0x0;
	s31 =	simm.s32 @!p3 $0x100  }
0x9e: {  	[spmem:s3] =	stream.indirect.scatter.add.f32 @!p1 [tilespmem:s2], [sflag:$0x5], $0x80, s0, s26, $0xb8;
	[tilespmem:$0x1C200] =	vst v63  }
0x9f: {  	_ =	swait.ge @!p1 [sflag:s30], $0x4000  }
0xa0: {  	[sflag:s30] =	ssyncset.done @!p1 $0x0  }
0xa1: {  	s0 =	simm.s32 @!p0 $0x1;
	[sflag:s30] =	ssyncadd.s32 @!p1 $0xFFFFC000  }
0xa2: {  	[tilespmem:s31], [sflag:$0x4] =	stream.linear.gather @!p3 [hbm4b:s25+s29], $0x100, $0x38;
	[tilespmem:$0x1C200] =	vst v63  }
0xa3: {  	p1 =	sge.u32 @!p0 s23, s10;
	_ =	swait.ge @!p0 [sflag:s0], $0x4000  }
0xa4: {  	p1 =	por p1, p0;
	[sflag:s0] =	ssyncset.done @!p0 $0x0  }
0xa5: {  	[sflag:s0] =	ssyncadd.s32 @!p0 $0xFFFFC000;
	s0 =	simm.s32 @!p1 $0x4  }
0xa6: {  	_ =	swait.ge @!p1 [sflag:s0], $0x100  }
0xa7: {  	[sflag:s0] =	ssyncset.done @!p1 $0x0  }
0xa8: {  	[sflag:s0] =	ssyncadd.s32 @!p1 $0xFFFFFF00  }
0xa9: {  	v1 =	vld @!p1 [tilespmem:$0x130]  }
0xaa: {  	v2 =	vld @!p1 [tilespmem:$0x170]  }
0xab: {  	v3 =	vld @!p1 [tilespmem:$0x140]  }
0xac: {  	v4 =	vld @!p1 [tilespmem:$0x120]  }
0xad: {  	v5 =	vld @!p1 [tilespmem:$0x100]  }
0xae: {  	v6 =	vld @!p1 [tilespmem:$0x150];
	v1 =	vshll.u32 @!p1 v1, $0x1  }
0xaf: {  	v7 =	vld @!p1 [tilespmem:$0x160];
	v2 =	vshll.u32 @!p1 v2, $0x1;
	v1 =	vor.u32 @!p1 v0, v1  }
0xb0: {  	v8 =	vld @!p1 [tilespmem:$0x110];
	v2 =	vor.u32 @!p1 v0, v2;
	[tilespmem:$0x130] =	vst @!p1 v1;
	v1 =	vshll.u32 @!p1 v3, $0x1  }
0xb1: {  	v3 =	vshll.u32 @!p1 v4, $0x1;
	[tilespmem:$0x170] =	vst @!p1 v2;
	v1 =	vor.u32 @!p1 v0, v1  }
0xb2: {  	v2 =	vshll.u32 @!p1 v5, $0x1;
	v3 =	vor.u32 @!p1 v0, v3;
	[tilespmem:$0x140] =	vst @!p1 v1  }
0xb3: {  	v1 =	vor.u32 @!p1 v0, v2;
	[tilespmem:$0x120] =	vst @!p1 v3;
	v2 =	vshll.u32 @!p1 v6, $0x1  }
0xb4: {  	[tilespmem:$0x100] =	vst @!p1 v1;
	v1 =	vor.u32 @!p1 v0, v2;
	v2 =	vshll.u32 @!p1 v7, $0x1  }
0xb5: {  	v3 =	vshll.u32 @!p1 v8, $0x1;
	[tilespmem:$0x150] =	vst @!p1 v1;
	v1 =	vor.u32 @!p1 v0, v2  }
0xb6: {  	v2 =	vor.u32 @!p1 v0, v3;
	[tilespmem:$0x160] =	vst @!p1 v1  }
0xb7: {  	s2 =	simm.s32 @!p1 $0x100;
	s24 =	simm.s32 @!p1 $0x4200;
	s0 =	simm.s32 @!p1 $0x80;
	[tilespmem:$0x110] =	vst @!p1 v2  }
0xb8: {  	[tilespmem:s24], [sflag:$0x2] =	stream.indirect.gather @!p1 [hbm4b:s1+s0], $0x80, s2, s0, $0xb8;
	[tilespmem:$0x1C200] =	vst v63  }
0xb9: {  	s0 =	simm.s32 @!p0 $0x80;
	s2 =	simm.s32 @!p0 $0x200;
	s24 =	simm.s32 @!p0 $0x5  }
0xba: {  	[spmem:s3] =	stream.indirect.scatter.add.f32 @!p0 [tilespmem:s2], [sflag:$0x5], $0x80, s0, s0, $0xb8;
	[tilespmem:$0x1C200] =	vst v63  }
0xbb: {  	p1 =	sge.u32 @!p0 s28, s6;
	_ =	swait.ge @!p0 [sflag:s24], $0x4000  }
0xbc: {  	p2 =	por p1, p0;
	p1 =	sge.u32 s23, s10;
	[sflag:s24] =	ssyncset.done @!p0 $0x0  }
0xbd: {  	s0 =	sadd.s32 @!p2 $0xFFFFFFE0, s22;
	s2 =	simm.s32 @!p2 $0x0;
	[sflag:s24] =	ssyncadd.s32 @!p0 $0xFFFFC000  }
0xbe: {  	[tilespmem:s2], [sflag:$0x3] =	stream.linear.gather @!p2 [hbm4b:s0+s2], $0x100, $0x38;
	[tilespmem:$0x1C200] =	vst v63  }
0xbf: {  	s0 =	simm.s32 @!p1 $0x2  }
0xc0: {  	p0 =	sge.u32 @!p1 s23, s11;
	_ =	swait.ge @!p1 [sflag:s0], $0x4000  }
0xc1: {  	p0 =	por p0, p1;
	[sflag:s0] =	ssyncset.done @!p1 $0x0  }
0xc2: {  	[sflag:s0] =	ssyncadd.s32 @!p1 $0xFFFFC000;
	s0 =	simm.s32 @!p0 $0x3  }
0xc3: {  	_ =	swait.ge @!p0 [sflag:s0], $0x100  }
0xc4: {  	[sflag:s0] =	ssyncset.done @!p0 $0x0  }
0xc5: {  	[sflag:s0] =	ssyncadd.s32 @!p0 $0xFFFFFF00  }
0xc6: {  	v1 =	vld @!p0 [tilespmem:$0x70]  }
0xc7: {  	v2 =	vld @!p0 [tilespmem:$0x0]  }
0xc8: {  	v3 =	vld @!p0 [tilespmem:$0x10]  }
0xc9: {  	v4 =	vld @!p0 [tilespmem:$0x20]  }
0xca: {  	v5 =	vld @!p0 [tilespmem:$0x30]  }
0xcb: {  	v6 =	vld @!p0 [tilespmem:$0x50];
	v1 =	vshll.u32 @!p0 v1, $0x1  }
0xcc: {  	v7 =	vld @!p0 [tilespmem:$0x60];
	v2 =	vshll.u32 @!p0 v2, $0x1;
	v1 =	vor.u32 @!p0 v0, v1  }
0xcd: {  	v3 =	vshll.u32 @!p0 v3, $0x1;
	v2 =	vor.u32 @!p0 v0, v2;
	[tilespmem:$0x70] =	vst @!p0 v1;
	v1 =	vld @!p0 [tilespmem:$0x40]  }
0xce: {  	[tilespmem:$0x0] =	vst @!p0 v2;
	v2 =	vor.u32 @!p0 v0, v3;
	v3 =	vshll.u32 @!p0 v4, $0x1  }
0xcf: {  	[tilespmem:$0x10] =	vst @!p0 v2;
	v2 =	vor.u32 @!p0 v0, v3;
	v3 =	vshll.u32 @!p0 v5, $0x1  }
0xd0: {  	[tilespmem:$0x20] =	vst @!p0 v2;
	v2 =	vor.u32 @!p0 v0, v3;
	v3 =	vshll.u32 @!p0 v6, $0x1  }
0xd1: {  	[tilespmem:$0x30] =	vst @!p0 v2;
	v2 =	vor.u32 @!p0 v0, v3;
	v3 =	vshll.u32 @!p0 v7, $0x1  }
0xd2: {  	[tilespmem:$0x50] =	vst @!p0 v2;
	v2 =	vor.u32 @!p0 v0, v3;
	v1 =	vshll.u32 @!p0 v1, $0x1  }
0xd3: {  	s2 =	simm.s32 @!p1 $0x80;
	s24 =	simm.s32 @!p0 $0x0;
	[tilespmem:$0x60] =	vst @!p0 v2;
	v1 =	vor.u32 @!p0 v0, v1  }
0xd4: {  	s25 =	simm.s32 @!p0 $0x200;
	s0 =	sadd.s32 @!p1 $0x3, s23;
	s23 =	simm.s32 @!p0 $0x80;
	[tilespmem:$0x40] =	vst @!p0 v1  }
0xd5: {  	[tilespmem:s25], [sflag:$0x1] =	stream.indirect.gather @!p0 [hbm4b:s1+s23], $0x80, s24, s23, $0xb8;
	[tilespmem:$0x1C200] =	vst v63  }
0xd6: {  	s23 =	simm.s32 @!p1 $0x180;
	s24 =	simm.s32 @!p1 $0x4200;
	s25 =	simm.s32 @!p1 $0x5  }
0xd7: {  	[spmem:s3] =	stream.indirect.scatter.add.f32 @!p1 [tilespmem:s24], [sflag:$0x5], $0x80, s23, s2, $0xb8;
	[tilespmem:$0x1C200] =	vst v63  }
0xd8: {  	p0 =	sge.u32 @!p1 s0, s6;
	_ =	swait.ge @!p1 [sflag:s25], $0x4000  }
0xd9: {  	s21 =	sadd.s32 $0x1, s21;
	p0 =	por p0, p1;
	[sflag:s25] =	ssyncset.done @!p1 $0x0  }
0xda: {  	s0 =	simm.s32 @!p0 $0x0;
	s2 =	simm.s32 @!p0 $0x100;
	[sflag:s25] =	ssyncadd.s32 @!p1 $0xFFFFC000  }
0xdb: {  	[tilespmem:s2], [sflag:$0x4] =	stream.linear.gather @!p0 [hbm4b:s22+s0], $0x100, $0x38;
	[tilespmem:$0x1C200] =	vst v63  }
0xdc: {  	p0 =	sne.s32 s21, s13  }
.Ltmp1:
0xdd: {  	[bflag:$0x0] =	sbarrier.arrive $0xFFFF;
	(pc) =	sbr.rel @p0 .LBB2_1-.Ltmp1, $4  }
0xde: {  	[hbm:s12], [sflag:s9] =	dma.local [spmem:s16], $0x2800  }
0xdf: {  	_ =	swait.ge [sflag:s17], $0x2800  }
0xe0: {  	[sflag:s17] =	ssyncset.done $0x0  }
0xe1: {  	[sflag:s17] =	ssyncadd.s32 $0xFFFFD800  }
0xe2: {  	_ =	sfence.sel $0x180000  }
0xe3: {  	[bflag:$0x0] =	sbarrier.arrive $0xFFFF  }
0xe4: {  	_ =	strace $0x90000047  }
0xe5: {  	s0 =	stileid.u32;
	[bflag:$0x2] =	sbarrier.arrive $0xFFFF  }
0xe6: {  	p0 =	sne.s32 s0, $0x0;
	s0 =	rddreg [dreg:$0x4]  }
0xe7: {  	s0 =	sadd.s32 @!p0 $0x100000, s0  }
0xe8: {  	[sflag:s0] =	ssyncadd.tile.s32 @!p0 $0x1;
	_ =	shalt  }
.Lfunc_end2:
_tile_overlayer_lowered:
.L_overlay_start_2:
0xe9: {  	(tag) =	ssettag $0x2  }
0xea: {  	s0 =	rddreg [dreg:$0x0];
	s2 =	stileid.u32  }
0xeb: {  	s1 =	rddreg [dreg:$0x1];
	p0 =	sne.s32 s2, $0x0  }
0xec: {  	s3 =	rddreg [dreg:$0x2];
	[bflag:$0x3] =	sbarrier.arrive $0xFFFF;
	s2 =	simm.s32 @!p0 $0x1C05  }
0xed: {  	[timem:s3], [sflag:s2] =	dma.local @!p0 [hbm:s0], s1  }
0xee: {  	s0 =	simm.s32 @!p0 $0x5  }
0xef: {  	_ =	swait.ge @!p0 [sflag:s0], s1  }
0xf0: {  	s1 =	ssub.s32 @!p0 $0x0, s1;
	[sflag:s0] =	ssyncset.done @!p0 $0x0  }
0xf1: {  	[sflag:s0] =	ssyncadd.s32 @!p0 s1  }
0xf2: {  	[bflag:$0x3] =	sbarrier.arrive $0xFFFF  }
0xf3: {  	_ =	shalt  }

</sc_bundles>
